<compile_context>
chip_gen: v7x
topology: tpu7x:2x2x1
jax: 0.10.2.dev20260603
libtpu: 0.0.44.dev20260713+nightly
codegen_flags: <defaults>
</compile_context>

<pallas_src>
import functools

import jax
import jax.numpy as jnp
from jax import lax
from jax.experimental import pallas as pl
from jax.experimental.pallas import tpu as pltpu
from jax.experimental.pallas import tpu_sc as plsc

N = 10000
E = 160000
EP = 16 * 80 * 128
NPAD = 10240

def _deg_body(dstk, zeros640, out, dvm, ovm, vmf, vmc, dsh, sa, sb):
    c = lax.axis_index("c")
    s = lax.axis_index("s")
    wid = c * 16 + s
    ones16 = jnp.ones((16,), jnp.float32)

    @pl.loop(0, 8)
    def _(k):
        ovm[pl.ds(k * 16, 16)] = ones16

    pltpu.sync_copy(zeros640, dsh.at[pl.ds(s * 640, 640)])
    pltpu.sync_copy(dstk.at[wid], dvm)
    plsc.subcore_barrier()

    @pl.loop(0, 20)
    def _(j2):
        a = 2 * j2

        @pl.when(j2 > 0)
        def _():
            pltpu.make_async_copy(ovm, dsh.at[dvm.at[0]], sa).wait()
            pltpu.make_async_copy(ovm, dsh.at[dvm.at[0]], sb).wait()

        pltpu.async_copy(ovm, dsh.at[dvm.at[a]], sa, add=True)
        pltpu.async_copy(ovm, dsh.at[dvm.at[a + 1]], sb, add=True)

    pltpu.make_async_copy(ovm, dsh.at[dvm.at[0]], sa).wait()
    pltpu.make_async_copy(ovm, dsh.at[dvm.at[0]], sb).wait()
    plsc.subcore_barrier()
    pltpu.sync_copy(dsh.at[pl.ds(s * 640, 640)], vmf)

    @pl.loop(0, 40)
    def _(i):
        vmc[i // 8, pl.ds((i % 8) * 16, 16)] = vmf[pl.ds(i * 16, 16)]

    pltpu.sync_copy(vmc, out.at[wid])


def _k2_body(x_ref, w_ref, b_ref, hist_ref, whs_ref, norm_ref):
    degs = jnp.sum(hist_ref[...], axis=0)
    norm = lax.rsqrt(jnp.maximum(degs, 1.0))
    acc = lax.dot_general(
        x_ref[...], w_ref[...], (((1,), (1,)), ((), ())),
        preferred_element_type=jnp.float32)
    wb = (acc + b_ref[...].reshape(1, 256)) * norm[:, None]
    whs_ref[0] = wb[:, :128]
    whs_ref[1] = wb[:, 128:]
    norm_ref[...] = norm[:, None]


def _k2(x, w, b2, hist):
    return pl.pallas_call(
        _k2_body,
        grid=(5,),
        in_specs=[
            pl.BlockSpec((2048, 256), lambda i: (i, 0)),
            pl.BlockSpec((256, 256), lambda i: (0, 0)),
            pl.BlockSpec((2, 128), lambda i: (0, 0)),
            pl.BlockSpec((2, 2048), lambda i: (0, i)),
        ],
        out_specs=[
            pl.BlockSpec((2, 2048, 128), lambda i: (0, i, 0)),
            pl.BlockSpec((2048, 1), lambda i: (i, 0)),
        ],
        out_shape=[
            jax.ShapeDtypeStruct((2, NPAD, 128), jnp.float32),
            jax.ShapeDtypeStruct((N, 1), jnp.float32),
        ],
    )(x, w, b2, hist)


def _msg_body(whs_flat, src4, dst3, zeros128, out, svm, dvm, rows0, rows1,
              hsh, sg0, sg1, ss0, ss1):
    c = lax.axis_index("c")
    s = lax.axis_index("s")
    wid = c * 16 + s
    for k in range(5):
        pltpu.async_copy(zeros128, hsh.at[pl.ds(s * 640 + k * 128, 128)], ss0)

    pltpu.sync_copy(src4.at[wid, pl.ds(0, 40)], svm)
    pltpu.sync_copy(dst3.at[s, pl.ds(0, 40)], dvm)
    pltpu.async_copy(whs_flat.at[svm.at[0]], rows0, sg0)
    for k in range(5):
        pltpu.make_async_copy(
            zeros128, hsh.at[pl.ds(s * 640 + k * 128, 128)], ss0).wait()
    plsc.subcore_barrier()

    for p in range(2):
        if p:
            pltpu.sync_copy(src4.at[wid, pl.ds(p * 40, 40)], svm)
            pltpu.sync_copy(dst3.at[s, pl.ds(p * 40, 40)], dvm)
            pltpu.async_copy(whs_flat.at[svm.at[0]], rows0, sg0)

        @pl.loop(0, 20)
        def _(j2):
            a = 2 * j2

            @pl.when(j2 > 0)
            def _():
                pltpu.make_async_copy(rows1, hsh.at[dvm.at[0]], ss1).wait()

            pltpu.async_copy(whs_flat.at[svm.at[a + 1]], rows1, sg1)
            pltpu.make_async_copy(whs_flat.at[svm.at[0]], rows0, sg0).wait()
            pltpu.async_copy(rows0, hsh.at[dvm.at[a]], ss0, add=True)

            @pl.when(j2 < 19)
            def _():
                pltpu.make_async_copy(rows0, hsh.at[dvm.at[0]], ss0).wait()
                pltpu.async_copy(whs_flat.at[svm.at[a + 2]], rows0, sg0)

            pltpu.make_async_copy(whs_flat.at[svm.at[0]], rows1, sg1).wait()
            pltpu.async_copy(rows1, hsh.at[dvm.at[a + 1]], ss1, add=True)

        pltpu.make_async_copy(rows0, hsh.at[dvm.at[0]], ss0).wait()
        pltpu.make_async_copy(rows1, hsh.at[dvm.at[0]], ss1).wait()

    plsc.subcore_barrier()
    pltpu.sync_copy(hsh.at[pl.ds(s * 625, 625)], out.at[wid])


def _k4_body(h2_ref, norm_ref, x_ref, o_ref):
    h = jnp.concatenate([h2_ref[0], h2_ref[1]], axis=1)
    o_ref[...] = jnp.maximum(h * norm_ref[...], 0.0) + x_ref[...]


@functools.lru_cache(maxsize=None)
def _sc_kernels():
    mesh = plsc.VectorSubcoreMesh(
        core_axis_name="c", subcore_axis_name="s", num_cores=2,
        num_subcores=16)
    deg = pl.kernel(
        _deg_body,
        mesh=mesh,
        out_type=jax.ShapeDtypeStruct((32, 5, 128), jnp.float32),
        scratch_types=[
            pltpu.VMEM((40, 128), jnp.int32),
            pltpu.VMEM((128,), jnp.float32),
            pltpu.VMEM((640,), jnp.float32),
            pltpu.VMEM((5, 128), jnp.float32),
            pltpu.VMEM_SHARED((NPAD,), jnp.float32),
            pltpu.SemaphoreType.DMA,
            pltpu.SemaphoreType.DMA,
        ],
    )
    msg = pl.kernel(
        _msg_body,
        mesh=mesh,
        out_type=jax.ShapeDtypeStruct((32, 625, 128), jnp.float32),
        scratch_types=[
            pltpu.VMEM((40, 128), jnp.int32),
            pltpu.VMEM((40, 128), jnp.int32),
            pltpu.VMEM((128, 128), jnp.float32),
            pltpu.VMEM((128, 128), jnp.float32),
            pltpu.VMEM_SHARED((NPAD, 128), jnp.float32),
            pltpu.SemaphoreType.DMA,
            pltpu.SemaphoreType.DMA,
            pltpu.SemaphoreType.DMA,
            pltpu.SemaphoreType.DMA,
        ],
    )
    return deg, msg


def _k4(h2, norm, x):
    return pl.pallas_call(
        _k4_body,
        grid=(5,),
        in_specs=[
            pl.BlockSpec((2, 2000, 128), lambda i: (0, i, 0)),
            pl.BlockSpec((2000, 1), lambda i: (i, 0)),
            pl.BlockSpec((2000, 256), lambda i: (i, 0)),
        ],
        out_specs=pl.BlockSpec((2000, 256), lambda i: (i, 0)),
        out_shape=jax.ShapeDtypeStruct((N, 256), jnp.float32),
    )(h2, norm, x)


def kernel(node_feats, edge_index, W, b):
    pad = EP - E
    ar = jnp.arange(pad, dtype=jnp.int32)
    pads = jnp.stack([(ar * 37) % N, N + (ar % 240)])
    eip = jnp.concatenate([edge_index.astype(jnp.int32), pads], axis=1)
    srcp, dstp = eip[0], eip[1]
    dstk1 = dstp.reshape(32, 40, 128)
    dst3 = dstp.reshape(16, 80, 128)
    src4 = (srcp[None, :] + jnp.array([[0], [NPAD]], jnp.int32)).reshape(
        32, 80, 128)
    zeros640 = jnp.zeros((640,), jnp.float32)
    zeros128 = jnp.zeros((128, 128), jnp.float32)

    deg_kernel, msg_kernel = _sc_kernels()
    hist = deg_kernel(dstk1, zeros640).reshape(2, NPAD)
    whs, norm = _k2(node_feats, W, b.reshape(2, 128), hist)
    h32 = msg_kernel(whs.reshape(2 * NPAD, 128), src4, dst3, zeros128)
    return _k4(h32.reshape(2, N, 128), norm, node_feats)

# --- scband reference (transcript-rebuilt; emitter-appended) ---
"""Pipeline reference for scband-gcnlayer-47897475285649 (READ-ONLY COPY).

The authoritative reference and input builder live on the scoring server;
editing this copy changes nothing except your own understanding.
"""

import jax, jax.numpy as jnp
import numpy as np

N_NODES = 10000
N_EDGES = 160000
D_IN = 256
D_OUT = 256

def setup_inputs(seed: int = 0) -> dict:
    key = jax.random.key(seed)
    k1, k2, k3, k4, k5 = jax.random.split(key, 5)
    node_feats = jax.random.normal(k1, (N_NODES, D_IN), dtype=jnp.float32)
    edge_index = jax.random.randint(k2, (2, N_EDGES), 0, N_NODES, dtype=jnp.int64)
    # nn.Linear(input_dim, output_dim): weight [out, in], bias [out]
    bound = 1.0 / np.sqrt(D_IN)
    W = jax.random.uniform(k3, (D_OUT, D_IN), minval=-bound, maxval=bound, dtype=jnp.float32)
    b = jax.random.uniform(k4, (D_OUT,), minval=-bound, maxval=bound, dtype=jnp.float32)
    return {"node_feats": node_feats, "edge_index": edge_index, "W": W, "b": b}

def reference(node_feats, edge_index, W, b):
    src = edge_index[0]
    dst = edge_index[1]
    h_in = node_feats
    # Wh = linear(node_feats)
    Wh = node_feats @ W.T + b
    # in-degrees per node (number of edges whose dst == node), clamp(min=1)
    ones = jnp.ones((edge_index.shape[1],), dtype=jnp.float32)
    degs = jax.ops.segment_sum(ones, dst, num_segments=N_NODES)
    degs = jnp.clip(degs, 1.0, None)
    norm = jnp.power(degs, -0.5)[:, None]  # [N, 1]
    # message: m = Wh[src] * norm[src]; reduce: sum over dst
    m = Wh[src] * norm[src]
    h = jax.ops.segment_sum(m, dst, num_segments=N_NODES)
    h_out = h * norm
    h_out = jax.nn.relu(h_out)
    # residual with input_dim == output_dim -> Identity
    return h_out + h_in

if __name__ == "__main__":
    import jax
    _d = setup_inputs()
    print(jax.jit(kernel)(*tuple(_d.values())))

</pallas_src>

<mosaic_0001>
#map = affine_map<(d0, d1) -> (0, 0)>
#map1 = affine_map<(d0, d1) -> (0, 0, 0)>
module attributes {stable_mosaic.version = 14 : i64} {
  func.func @_msg_body(%arg0: i32, %arg1: i32, %arg2: memref<20480x128xf32, #tpu.memory_space<hbm>>, %arg3: memref<32x80x128xi32, #tpu.memory_space<hbm>>, %arg4: memref<16x80x128xi32, #tpu.memory_space<hbm>>, %arg5: memref<128x128xf32, #tpu.memory_space<hbm>>, %arg6: memref<32x625x128xf32, #tpu.memory_space<hbm>>, %arg7: memref<40x128xi32, #tpu.memory_space<vmem>>, %arg8: memref<40x128xi32, #tpu.memory_space<vmem>>, %arg9: memref<128x128xf32, #tpu.memory_space<vmem>>, %arg10: memref<128x128xf32, #tpu.memory_space<vmem>>, %arg11: memref<10240x128xf32, #tpu.memory_space<vmem_shared>>, %arg12: memref<!tpu.dma_semaphore, #tpu.memory_space<semaphore_mem>>, %arg13: memref<!tpu.dma_semaphore, #tpu.memory_space<semaphore_mem>>, %arg14: memref<!tpu.dma_semaphore, #tpu.memory_space<semaphore_mem>>, %arg15: memref<!tpu.dma_semaphore, #tpu.memory_space<semaphore_mem>>) attributes {dimension_semantics = [#tpu.dimension_semantics<core_parallel>, #tpu.dimension_semantics<subcore_parallel>], iteration_bounds = array<i64: 2, 16>, scalar_prefetch = 0 : i64, scratch_operands = 9 : i64, tpu.core_type = #tpu.core_type<sc_vector_subcore>, window_params = [{transform_indices = #map}, {transform_indices = #map1}, {transform_indices = #map1}, {transform_indices = #map}, {transform_indices = #map1}]} {
    %mul3A = arith.constant 16 : i32
    %mul3A_0 = arith.muli %arg0, %mul3A : i32
    %add3A = arith.addi %mul3A_0, %arg1 : i32
    %mul3A_1 = arith.constant 640 : i32
    %mul3A_2 = arith.muli %arg1, %mul3A_1 : i32
    %add3A_3 = arith.constant 0 : i32
    %add3A_4 = arith.addi %mul3A_2, %add3A_3 : i32
    %dma_start3A = arith.constant 0 : i32
    %dma_start3A_5 = tpu.memref_slice %arg11[%add3A_4, %dma_start3A] : memref<10240x128xf32, #tpu.memory_space<vmem_shared>> -> memref<128x128xf32, #tpu.memory_space<vmem_shared>>
    tpu.enqueue_dma source(%arg5 : memref<128x128xf32, #tpu.memory_space<hbm>>) target(%dma_start3A_5 : memref<128x128xf32, #tpu.memory_space<vmem_shared>>) target_semaphore(%arg14 : memref<!tpu.dma_semaphore, #tpu.memory_space<semaphore_mem>>)
    %mul3A_6 = arith.constant 640 : i32
    %mul3A_7 = arith.muli %arg1, %mul3A_6 : i32
    %add3A_8 = arith.constant 128 : i32
    %add3A_9 = arith.addi %mul3A_7, %add3A_8 : i32
    %dma_start3A_10 = arith.constant 0 : i32
    %dma_start3A_11 = tpu.memref_slice %arg11[%add3A_9, %dma_start3A_10] : memref<10240x128xf32, #tpu.memory_space<vmem_shared>> -> memref<128x128xf32, #tpu.memory_space<vmem_shared>>
    tpu.enqueue_dma source(%arg5 : memref<128x128xf32, #tpu.memory_space<hbm>>) target(%dma_start3A_11 : memref<128x128xf32, #tpu.memory_space<vmem_shared>>) target_semaphore(%arg14 : memref<!tpu.dma_semaphore, #tpu.memory_space<semaphore_mem>>)
    %mul3A_12 = arith.constant 640 : i32
    %mul3A_13 = arith.muli %arg1, %mul3A_12 : i32
    %add3A_14 = arith.constant 256 : i32
    %add3A_15 = arith.addi %mul3A_13, %add3A_14 : i32
    %dma_start3A_16 = arith.constant 0 : i32
    %dma_start3A_17 = tpu.memref_slice %arg11[%add3A_15, %dma_start3A_16] : memref<10240x128xf32, #tpu.memory_space<vmem_shared>> -> memref<128x128xf32, #tpu.memory_space<vmem_shared>>
    tpu.enqueue_dma source(%arg5 : memref<128x128xf32, #tpu.memory_space<hbm>>) target(%dma_start3A_17 : memref<128x128xf32, #tpu.memory_space<vmem_shared>>) target_semaphore(%arg14 : memref<!tpu.dma_semaphore, #tpu.memory_space<semaphore_mem>>)
    %mul3A_18 = arith.constant 640 : i32
    %mul3A_19 = arith.muli %arg1, %mul3A_18 : i32
    %add3A_20 = arith.constant 384 : i32
    %add3A_21 = arith.addi %mul3A_19, %add3A_20 : i32
    %dma_start3A_22 = arith.constant 0 : i32
    %dma_start3A_23 = tpu.memref_slice %arg11[%add3A_21, %dma_start3A_22] : memref<10240x128xf32, #tpu.memory_space<vmem_shared>> -> memref<128x128xf32, #tpu.memory_space<vmem_shared>>
    tpu.enqueue_dma source(%arg5 : memref<128x128xf32, #tpu.memory_space<hbm>>) target(%dma_start3A_23 : memref<128x128xf32, #tpu.memory_space<vmem_shared>>) target_semaphore(%arg14 : memref<!tpu.dma_semaphore, #tpu.memory_space<semaphore_mem>>)
    %mul3A_24 = arith.constant 640 : i32
    %mul3A_25 = arith.muli %arg1, %mul3A_24 : i32
    %add3A_26 = arith.constant 512 : i32
    %add3A_27 = arith.addi %mul3A_25, %add3A_26 : i32
    %dma_start3A_28 = arith.constant 0 : i32
    %dma_start3A_29 = tpu.memref_slice %arg11[%add3A_27, %dma_start3A_28] : memref<10240x128xf32, #tpu.memory_space<vmem_shared>> -> memref<128x128xf32, #tpu.memory_space<vmem_shared>>
    tpu.enqueue_dma source(%arg5 : memref<128x128xf32, #tpu.memory_space<hbm>>) target(%dma_start3A_29 : memref<128x128xf32, #tpu.memory_space<vmem_shared>>) target_semaphore(%arg14 : memref<!tpu.dma_semaphore, #tpu.memory_space<semaphore_mem>>)
    "tpu.region"() ({
      %run_scoped3A = tpu.sem_alloc : memref<!tpu.dma_semaphore, #tpu.memory_space<semaphore_mem>>
      %dma_start3A_113 = arith.constant 0 : i32
      %dma_start3A_114 = arith.constant 0 : i32
      %dma_start3A_115 = tpu.memref_slice %arg3[%add3A, %dma_start3A_113, %dma_start3A_114] : memref<32x80x128xi32, #tpu.memory_space<hbm>> -> memref<1x40x128xi32, #tpu.memory_space<hbm>>
      %dma_start3A_116 = tpu.memref_squeeze %dma_start3A_115 : memref<1x40x128xi32, #tpu.memory_space<hbm>> -> memref<40x128xi32, #tpu.memory_space<hbm>>
      %dma_start3A_117 = arith.constant 0 : i32
      %dma_start3A_118 = arith.constant 0 : i32
      %dma_start3A_119 = tpu.memref_slice %arg3[%add3A, %dma_start3A_117, %dma_start3A_118] : memref<32x80x128xi32, #tpu.memory_space<hbm>> -> memref<1x40x128xi32, #tpu.memory_space<hbm>>
      %dma_start3A_120 = tpu.memref_squeeze %dma_start3A_119 : memref<1x40x128xi32, #tpu.memory_space<hbm>> -> memref<40x128xi32, #tpu.memory_space<hbm>>
      tpu.enqueue_dma source(%dma_start3A_120 : memref<40x128xi32, #tpu.memory_space<hbm>>) target(%arg7 : memref<40x128xi32, #tpu.memory_space<vmem>>) target_semaphore(%run_scoped3A : memref<!tpu.dma_semaphore, #tpu.memory_space<semaphore_mem>>)
      %dma_wait3A_121 = arith.constant 0 : i32
      %dma_wait3A_122 = arith.constant 0 : i32
      %dma_wait3A_123 = tpu.memref_slice %arg3[%add3A, %dma_wait3A_121, %dma_wait3A_122] : memref<32x80x128xi32, #tpu.memory_space<hbm>> -> memref<1x40x128xi32, #tpu.memory_space<hbm>>
      %dma_wait3A_124 = tpu.memref_squeeze %dma_wait3A_123 : memref<1x40x128xi32, #tpu.memory_space<hbm>> -> memref<40x128xi32, #tpu.memory_space<hbm>>
      %dma_wait3A_125 = arith.constant 0 : i32
      %dma_wait3A_126 = arith.constant 0 : i32
      %dma_wait3A_127 = tpu.memref_slice %arg3[%add3A, %dma_wait3A_125, %dma_wait3A_126] : memref<32x80x128xi32, #tpu.memory_space<hbm>> -> memref<1x40x128xi32, #tpu.memory_space<hbm>>
      %dma_wait3A_128 = tpu.memref_squeeze %dma_wait3A_127 : memref<1x40x128xi32, #tpu.memory_space<hbm>> -> memref<40x128xi32, #tpu.memory_space<hbm>>
      tpu.wait_dma2 semaphore(%run_scoped3A : memref<!tpu.dma_semaphore, #tpu.memory_space<semaphore_mem>>) src(%dma_wait3A_128 : memref<40x128xi32, #tpu.memory_space<hbm>>) dst(%arg7 : memref<40x128xi32, #tpu.memory_space<vmem>>)
      tpu.yield
    }) : () -> ()
    "tpu.region"() ({
      %run_scoped3A = tpu.sem_alloc : memref<!tpu.dma_semaphore, #tpu.memory_space<semaphore_mem>>
      %dma_start3A_113 = arith.constant 0 : i32
      %dma_start3A_114 = arith.constant 0 : i32
      %dma_start3A_115 = tpu.memref_slice %arg4[%arg1, %dma_start3A_113, %dma_start3A_114] : memref<16x80x128xi32, #tpu.memory_space<hbm>> -> memref<1x40x128xi32, #tpu.memory_space<hbm>>
      %dma_start3A_116 = tpu.memref_squeeze %dma_start3A_115 : memref<1x40x128xi32, #tpu.memory_space<hbm>> -> memref<40x128xi32, #tpu.memory_space<hbm>>
      %dma_start3A_117 = arith.constant 0 : i32
      %dma_start3A_118 = arith.constant 0 : i32
      %dma_start3A_119 = tpu.memref_slice %arg4[%arg1, %dma_start3A_117, %dma_start3A_118] : memref<16x80x128xi32, #tpu.memory_space<hbm>> -> memref<1x40x128xi32, #tpu.memory_space<hbm>>
      %dma_start3A_120 = tpu.memref_squeeze %dma_start3A_119 : memref<1x40x128xi32, #tpu.memory_space<hbm>> -> memref<40x128xi32, #tpu.memory_space<hbm>>
      tpu.enqueue_dma source(%dma_start3A_120 : memref<40x128xi32, #tpu.memory_space<hbm>>) target(%arg8 : memref<40x128xi32, #tpu.memory_space<vmem>>) target_semaphore(%run_scoped3A : memref<!tpu.dma_semaphore, #tpu.memory_space<semaphore_mem>>)
      %dma_wait3A_121 = arith.constant 0 : i32
      %dma_wait3A_122 = arith.constant 0 : i32
      %dma_wait3A_123 = tpu.memref_slice %arg4[%arg1, %dma_wait3A_121, %dma_wait3A_122] : memref<16x80x128xi32, #tpu.memory_space<hbm>> -> memref<1x40x128xi32, #tpu.memory_space<hbm>>
      %dma_wait3A_124 = tpu.memref_squeeze %dma_wait3A_123 : memref<1x40x128xi32, #tpu.memory_space<hbm>> -> memref<40x128xi32, #tpu.memory_space<hbm>>
      %dma_wait3A_125 = arith.constant 0 : i32
      %dma_wait3A_126 = arith.constant 0 : i32
      %dma_wait3A_127 = tpu.memref_slice %arg4[%arg1, %dma_wait3A_125, %dma_wait3A_126] : memref<16x80x128xi32, #tpu.memory_space<hbm>> -> memref<1x40x128xi32, #tpu.memory_space<hbm>>
      %dma_wait3A_128 = tpu.memref_squeeze %dma_wait3A_127 : memref<1x40x128xi32, #tpu.memory_space<hbm>> -> memref<40x128xi32, #tpu.memory_space<hbm>>
      tpu.wait_dma2 semaphore(%run_scoped3A : memref<!tpu.dma_semaphore, #tpu.memory_space<semaphore_mem>>) src(%dma_wait3A_128 : memref<40x128xi32, #tpu.memory_space<hbm>>) dst(%arg8 : memref<40x128xi32, #tpu.memory_space<vmem>>)
      tpu.yield
    }) : () -> ()
    %dma_start3A_30 = arith.constant 0 : i32
    %dma_start3A_31 = arith.constant 0 : i32
    %dma_start3A_32 = tpu.memref_slice %arg7[%dma_start3A_30, %dma_start3A_31] : memref<40x128xi32, #tpu.memory_space<vmem>> -> memref<1x128xi32, #tpu.memory_space<vmem>>
    %dma_start3A_33 = tpu.memref_squeeze %dma_start3A_32 : memref<1x128xi32, #tpu.memory_space<vmem>> -> memref<128xi32, #tpu.memory_space<vmem>>
    %dma_start3A_34 = arith.constant 0 : i32
    %dma_start3A_35 = arith.constant 0 : i32
    %dma_start3A_36 = tpu.memref_slice %arg2[%dma_start3A_34, %dma_start3A_35] : memref<20480x128xf32, #tpu.memory_space<hbm>> -> memref<20480x128xf32, #tpu.memory_space<hbm>>
    tpu.enqueue_indirect_dma source(%dma_start3A_36 : memref<20480x128xf32, #tpu.memory_space<hbm>>) target(%arg9 : memref<128x128xf32, #tpu.memory_space<vmem>>) offsets(%dma_start3A_33 : memref<128xi32, #tpu.memory_space<vmem>>) semaphore(%arg12 : memref<!tpu.dma_semaphore, #tpu.memory_space<semaphore_mem>>)
    %mul3A_37 = arith.constant 640 : i32
    %mul3A_38 = arith.muli %arg1, %mul3A_37 : i32
    %add3A_39 = arith.constant 0 : i32
    %add3A_40 = arith.addi %mul3A_38, %add3A_39 : i32
    %dma_wait3A = arith.constant 0 : i32
    %dma_wait3A_41 = tpu.memref_slice %arg11[%add3A_40, %dma_wait3A] : memref<10240x128xf32, #tpu.memory_space<vmem_shared>> -> memref<128x128xf32, #tpu.memory_space<vmem_shared>>
    tpu.wait_dma2 semaphore(%arg14 : memref<!tpu.dma_semaphore, #tpu.memory_space<semaphore_mem>>) src(%arg5 : memref<128x128xf32, #tpu.memory_space<hbm>>) dst(%dma_wait3A_41 : memref<128x128xf32, #tpu.memory_space<vmem_shared>>)
    %mul3A_42 = arith.constant 640 : i32
    %mul3A_43 = arith.muli %arg1, %mul3A_42 : i32
    %add3A_44 = arith.constant 128 : i32
    %add3A_45 = arith.addi %mul3A_43, %add3A_44 : i32
    %dma_wait3A_46 = arith.constant 0 : i32
    %dma_wait3A_47 = tpu.memref_slice %arg11[%add3A_45, %dma_wait3A_46] : memref<10240x128xf32, #tpu.memory_space<vmem_shared>> -> memref<128x128xf32, #tpu.memory_space<vmem_shared>>
    tpu.wait_dma2 semaphore(%arg14 : memref<!tpu.dma_semaphore, #tpu.memory_space<semaphore_mem>>) src(%arg5 : memref<128x128xf32, #tpu.memory_space<hbm>>) dst(%dma_wait3A_47 : memref<128x128xf32, #tpu.memory_space<vmem_shared>>)
    %mul3A_48 = arith.constant 640 : i32
    %mul3A_49 = arith.muli %arg1, %mul3A_48 : i32
    %add3A_50 = arith.constant 256 : i32
    %add3A_51 = arith.addi %mul3A_49, %add3A_50 : i32
    %dma_wait3A_52 = arith.constant 0 : i32
    %dma_wait3A_53 = tpu.memref_slice %arg11[%add3A_51, %dma_wait3A_52] : memref<10240x128xf32, #tpu.memory_space<vmem_shared>> -> memref<128x128xf32, #tpu.memory_space<vmem_shared>>
    tpu.wait_dma2 semaphore(%arg14 : memref<!tpu.dma_semaphore, #tpu.memory_space<semaphore_mem>>) src(%arg5 : memref<128x128xf32, #tpu.memory_space<hbm>>) dst(%dma_wait3A_53 : memref<128x128xf32, #tpu.memory_space<vmem_shared>>)
    %mul3A_54 = arith.constant 640 : i32
    %mul3A_55 = arith.muli %arg1, %mul3A_54 : i32
    %add3A_56 = arith.constant 384 : i32
    %add3A_57 = arith.addi %mul3A_55, %add3A_56 : i32
    %dma_wait3A_58 = arith.constant 0 : i32
    %dma_wait3A_59 = tpu.memref_slice %arg11[%add3A_57, %dma_wait3A_58] : memref<10240x128xf32, #tpu.memory_space<vmem_shared>> -> memref<128x128xf32, #tpu.memory_space<vmem_shared>>
    tpu.wait_dma2 semaphore(%arg14 : memref<!tpu.dma_semaphore, #tpu.memory_space<semaphore_mem>>) src(%arg5 : memref<128x128xf32, #tpu.memory_space<hbm>>) dst(%dma_wait3A_59 : memref<128x128xf32, #tpu.memory_space<vmem_shared>>)
    %mul3A_60 = arith.constant 640 : i32
    %mul3A_61 = arith.muli %arg1, %mul3A_60 : i32
    %add3A_62 = arith.constant 512 : i32
    %add3A_63 = arith.addi %mul3A_61, %add3A_62 : i32
    %dma_wait3A_64 = arith.constant 0 : i32
    %dma_wait3A_65 = tpu.memref_slice %arg11[%add3A_63, %dma_wait3A_64] : memref<10240x128xf32, #tpu.memory_space<vmem_shared>> -> memref<128x128xf32, #tpu.memory_space<vmem_shared>>
    tpu.wait_dma2 semaphore(%arg14 : memref<!tpu.dma_semaphore, #tpu.memory_space<semaphore_mem>>) src(%arg5 : memref<128x128xf32, #tpu.memory_space<hbm>>) dst(%dma_wait3A_65 : memref<128x128xf32, #tpu.memory_space<vmem_shared>>)
    %barrier3A = arith.constant 0 : index
    tpu.barrier barrier_id(%barrier3A)
    %scan3A = arith.constant 0 : i32
    %scan3A_66 = arith.constant 20 : i32
    %scan3A_67 = arith.addi %scan3A, %scan3A_66 : i32
    %scan3A_68 = arith.constant 1 : i32
    scf.for %scan3A_113 = %scan3A to %scan3A_67 step %scan3A_68  : i32 {
      %mul3A_114 = arith.constant 1 : i32
      %mul3A_115 = arith.muli %scan3A_113, %mul3A_114 : i32
      %add3A_116 = arith.constant 0 : i32
      %add3A_117 = arith.addi %add3A_116, %mul3A_115 : i32
      %mul3A_118 = arith.constant 2 : i32
      %mul3A_119 = arith.muli %mul3A_118, %add3A_117 : i32
      %gt3A = arith.constant 0 : i32
      %gt3A_120 = arith.cmpi sgt, %add3A_117, %gt3A : i32
      %convert_element_type3A = arith.extui %gt3A_120 : i1 to i32
      %cond3A = arith.constant 0 : i32
      %cond3A_121 = arith.cmpi ne, %convert_element_type3A, %cond3A : i32
      scf.if %cond3A_121 {
        %dma_wait3A_162 = arith.constant 0 : i32
        %dma_wait3A_163 = arith.constant 0 : i32
        %dma_wait3A_164 = tpu.memref_slice %arg8[%dma_wait3A_162, %dma_wait3A_163] : memref<40x128xi32, #tpu.memory_space<vmem>> -> memref<1x128xi32, #tpu.memory_space<vmem>>
        %dma_wait3A_165 = tpu.memref_squeeze %dma_wait3A_164 : memref<1x128xi32, #tpu.memory_space<vmem>> -> memref<128xi32, #tpu.memory_space<vmem>>
        %dma_wait3A_166 = arith.constant 0 : i32
        %dma_wait3A_167 = arith.constant 0 : i32
        %dma_wait3A_168 = tpu.memref_slice %arg11[%dma_wait3A_166, %dma_wait3A_167] : memref<10240x128xf32, #tpu.memory_space<vmem_shared>> -> memref<10240x128xf32, #tpu.memory_space<vmem_shared>>
        tpu.wait_indirect_dma semaphore(%arg15 : memref<!tpu.dma_semaphore, #tpu.memory_space<semaphore_mem>>) src(%arg10 : memref<128x128xf32, #tpu.memory_space<vmem>>) dst(%dma_wait3A_168 : memref<10240x128xf32, #tpu.memory_space<vmem_shared>>)
      } else {
      }
      %add3A_122 = arith.constant 1 : i32
      %add3A_123 = arith.addi %mul3A_119, %add3A_122 : i32
      %dma_start3A_124 = arith.constant 0 : i32
      %dma_start3A_125 = tpu.memref_slice %arg7[%add3A_123, %dma_start3A_124] : memref<40x128xi32, #tpu.memory_space<vmem>> -> memref<1x128xi32, #tpu.memory_space<vmem>>
      %dma_start3A_126 = tpu.memref_squeeze %dma_start3A_125 : memref<1x128xi32, #tpu.memory_space<vmem>> -> memref<128xi32, #tpu.memory_space<vmem>>
      %dma_start3A_127 = arith.constant 0 : i32
      %dma_start3A_128 = arith.constant 0 : i32
      %dma_start3A_129 = tpu.memref_slice %arg2[%dma_start3A_127, %dma_start3A_128] : memref<20480x128xf32, #tpu.memory_space<hbm>> -> memref<20480x128xf32, #tpu.memory_space<hbm>>
      tpu.enqueue_indirect_dma source(%dma_start3A_129 : memref<20480x128xf32, #tpu.memory_space<hbm>>) target(%arg10 : memref<128x128xf32, #tpu.memory_space<vmem>>) offsets(%dma_start3A_126 : memref<128xi32, #tpu.memory_space<vmem>>) semaphore(%arg13 : memref<!tpu.dma_semaphore, #tpu.memory_space<semaphore_mem>>)
      %dma_wait3A_130 = arith.constant 0 : i32
      %dma_wait3A_131 = arith.constant 0 : i32
      %dma_wait3A_132 = tpu.memref_slice %arg7[%dma_wait3A_130, %dma_wait3A_131] : memref<40x128xi32, #tpu.memory_space<vmem>> -> memref<1x128xi32, #tpu.memory_space<vmem>>
      %dma_wait3A_133 = tpu.memref_squeeze %dma_wait3A_132 : memref<1x128xi32, #tpu.memory_space<vmem>> -> memref<128xi32, #tpu.memory_space<vmem>>
      %dma_wait3A_134 = arith.constant 0 : i32
      %dma_wait3A_135 = arith.constant 0 : i32
      %dma_wait3A_136 = tpu.memref_slice %arg2[%dma_wait3A_134, %dma_wait3A_135] : memref<20480x128xf32, #tpu.memory_space<hbm>> -> memref<20480x128xf32, #tpu.memory_space<hbm>>
      tpu.wait_indirect_dma semaphore(%arg12 : memref<!tpu.dma_semaphore, #tpu.memory_space<semaphore_mem>>) src(%dma_wait3A_136 : memref<20480x128xf32, #tpu.memory_space<hbm>>) dst(%arg9 : memref<128x128xf32, #tpu.memory_space<vmem>>)
      %dma_start3A_137 = arith.constant 0 : i32
      %dma_start3A_138 = tpu.memref_slice %arg8[%mul3A_119, %dma_start3A_137] : memref<40x128xi32, #tpu.memory_space<vmem>> -> memref<1x128xi32, #tpu.memory_space<vmem>>
      %dma_start3A_139 = tpu.memref_squeeze %dma_start3A_138 : memref<1x128xi32, #tpu.memory_space<vmem>> -> memref<128xi32, #tpu.memory_space<vmem>>
      %dma_start3A_140 = arith.constant 0 : i32
      %dma_start3A_141 = arith.constant 0 : i32
      %dma_start3A_142 = tpu.memref_slice %arg11[%dma_start3A_140, %dma_start3A_141] : memref<10240x128xf32, #tpu.memory_space<vmem_shared>> -> memref<10240x128xf32, #tpu.memory_space<vmem_shared>>
      tpu.enqueue_indirect_dma source(%arg9 : memref<128x128xf32, #tpu.memory_space<vmem>>) target(%dma_start3A_142 : memref<10240x128xf32, #tpu.memory_space<vmem_shared>>) offsets(%dma_start3A_139 : memref<128xi32, #tpu.memory_space<vmem>>) semaphore(%arg14 : memref<!tpu.dma_semaphore, #tpu.memory_space<semaphore_mem>>) {add = true}
      %lt3A = arith.constant 19 : i32
      %lt3A_143 = arith.cmpi slt, %add3A_117, %lt3A : i32
      %convert_element_type3A_144 = arith.extui %lt3A_143 : i1 to i32
      %cond3A_145 = arith.constant 0 : i32
      %cond3A_146 = arith.cmpi ne, %convert_element_type3A_144, %cond3A_145 : i32
      scf.if %cond3A_146 {
        %dma_wait3A_162 = arith.constant 0 : i32
        %dma_wait3A_163 = arith.constant 0 : i32
        %dma_wait3A_164 = tpu.memref_slice %arg8[%dma_wait3A_162, %dma_wait3A_163] : memref<40x128xi32, #tpu.memory_space<vmem>> -> memref<1x128xi32, #tpu.memory_space<vmem>>
        %dma_wait3A_165 = tpu.memref_squeeze %dma_wait3A_164 : memref<1x128xi32, #tpu.memory_space<vmem>> -> memref<128xi32, #tpu.memory_space<vmem>>
        %dma_wait3A_166 = arith.constant 0 : i32
        %dma_wait3A_167 = arith.constant 0 : i32
        %dma_wait3A_168 = tpu.memref_slice %arg11[%dma_wait3A_166, %dma_wait3A_167] : memref<10240x128xf32, #tpu.memory_space<vmem_shared>> -> memref<10240x128xf32, #tpu.memory_space<vmem_shared>>
        tpu.wait_indirect_dma semaphore(%arg14 : memref<!tpu.dma_semaphore, #tpu.memory_space<semaphore_mem>>) src(%arg9 : memref<128x128xf32, #tpu.memory_space<vmem>>) dst(%dma_wait3A_168 : memref<10240x128xf32, #tpu.memory_space<vmem_shared>>)
        %add3A_169 = arith.constant 2 : i32
        %add3A_170 = arith.addi %mul3A_119, %add3A_169 : i32
        %dma_start3A_171 = arith.constant 0 : i32
        %dma_start3A_172 = tpu.memref_slice %arg7[%add3A_170, %dma_start3A_171] : memref<40x128xi32, #tpu.memory_space<vmem>> -> memref<1x128xi32, #tpu.memory_space<vmem>>
        %dma_start3A_173 = tpu.memref_squeeze %dma_start3A_172 : memref<1x128xi32, #tpu.memory_space<vmem>> -> memref<128xi32, #tpu.memory_space<vmem>>
        %dma_start3A_174 = arith.constant 0 : i32
        %dma_start3A_175 = arith.constant 0 : i32
        %dma_start3A_176 = tpu.memref_slice %arg2[%dma_start3A_174, %dma_start3A_175] : memref<20480x128xf32, #tpu.memory_space<hbm>> -> memref<20480x128xf32, #tpu.memory_space<hbm>>
        tpu.enqueue_indirect_dma source(%dma_start3A_176 : memref<20480x128xf32, #tpu.memory_space<hbm>>) target(%arg9 : memref<128x128xf32, #tpu.memory_space<vmem>>) offsets(%dma_start3A_173 : memref<128xi32, #tpu.memory_space<vmem>>) semaphore(%arg12 : memref<!tpu.dma_semaphore, #tpu.memory_space<semaphore_mem>>)
      } else {
      }
      %dma_wait3A_147 = arith.constant 0 : i32
      %dma_wait3A_148 = arith.constant 0 : i32
      %dma_wait3A_149 = tpu.memref_slice %arg7[%dma_wait3A_147, %dma_wait3A_148] : memref<40x128xi32, #tpu.memory_space<vmem>> -> memref<1x128xi32, #tpu.memory_space<vmem>>
      %dma_wait3A_150 = tpu.memref_squeeze %dma_wait3A_149 : memref<1x128xi32, #tpu.memory_space<vmem>> -> memref<128xi32, #tpu.memory_space<vmem>>
      %dma_wait3A_151 = arith.constant 0 : i32
      %dma_wait3A_152 = arith.constant 0 : i32
      %dma_wait3A_153 = tpu.memref_slice %arg2[%dma_wait3A_151, %dma_wait3A_152] : memref<20480x128xf32, #tpu.memory_space<hbm>> -> memref<20480x128xf32, #tpu.memory_space<hbm>>
      tpu.wait_indirect_dma semaphore(%arg13 : memref<!tpu.dma_semaphore, #tpu.memory_space<semaphore_mem>>) src(%dma_wait3A_153 : memref<20480x128xf32, #tpu.memory_space<hbm>>) dst(%arg10 : memref<128x128xf32, #tpu.memory_space<vmem>>)
      %add3A_154 = arith.constant 1 : i32
      %add3A_155 = arith.addi %mul3A_119, %add3A_154 : i32
      %dma_start3A_156 = arith.constant 0 : i32
      %dma_start3A_157 = tpu.memref_slice %arg8[%add3A_155, %dma_start3A_156] : memref<40x128xi32, #tpu.memory_space<vmem>> -> memref<1x128xi32, #tpu.memory_space<vmem>>
      %dma_start3A_158 = tpu.memref_squeeze %dma_start3A_157 : memref<1x128xi32, #tpu.memory_space<vmem>> -> memref<128xi32, #tpu.memory_space<vmem>>
      %dma_start3A_159 = arith.constant 0 : i32
      %dma_start3A_160 = arith.constant 0 : i32
      %dma_start3A_161 = tpu.memref_slice %arg11[%dma_start3A_159, %dma_start3A_160] : memref<10240x128xf32, #tpu.memory_space<vmem_shared>> -> memref<10240x128xf32, #tpu.memory_space<vmem_shared>>
      tpu.enqueue_indirect_dma source(%arg10 : memref<128x128xf32, #tpu.memory_space<vmem>>) target(%dma_start3A_161 : memref<10240x128xf32, #tpu.memory_space<vmem_shared>>) offsets(%dma_start3A_158 : memref<128xi32, #tpu.memory_space<vmem>>) semaphore(%arg15 : memref<!tpu.dma_semaphore, #tpu.memory_space<semaphore_mem>>) {add = true}
    }
    %scan3A_69 = arith.constant 20 : i32
    %dma_wait3A_70 = arith.constant 0 : i32
    %dma_wait3A_71 = arith.constant 0 : i32
    %dma_wait3A_72 = tpu.memref_slice %arg8[%dma_wait3A_70, %dma_wait3A_71] : memref<40x128xi32, #tpu.memory_space<vmem>> -> memref<1x128xi32, #tpu.memory_space<vmem>>
    %dma_wait3A_73 = tpu.memref_squeeze %dma_wait3A_72 : memref<1x128xi32, #tpu.memory_space<vmem>> -> memref<128xi32, #tpu.memory_space<vmem>>
    %dma_wait3A_74 = arith.constant 0 : i32
    %dma_wait3A_75 = arith.constant 0 : i32
    %dma_wait3A_76 = tpu.memref_slice %arg11[%dma_wait3A_74, %dma_wait3A_75] : memref<10240x128xf32, #tpu.memory_space<vmem_shared>> -> memref<10240x128xf32, #tpu.memory_space<vmem_shared>>
    tpu.wait_indirect_dma semaphore(%arg14 : memref<!tpu.dma_semaphore, #tpu.memory_space<semaphore_mem>>) src(%arg9 : memref<128x128xf32, #tpu.memory_space<vmem>>) dst(%dma_wait3A_76 : memref<10240x128xf32, #tpu.memory_space<vmem_shared>>)
    %dma_wait3A_77 = arith.constant 0 : i32
    %dma_wait3A_78 = arith.constant 0 : i32
    %dma_wait3A_79 = tpu.memref_slice %arg8[%dma_wait3A_77, %dma_wait3A_78] : memref<40x128xi32, #tpu.memory_space<vmem>> -> memref<1x128xi32, #tpu.memory_space<vmem>>
    %dma_wait3A_80 = tpu.memref_squeeze %dma_wait3A_79 : memref<1x128xi32, #tpu.memory_space<vmem>> -> memref<128xi32, #tpu.memory_space<vmem>>
    %dma_wait3A_81 = arith.constant 0 : i32
    %dma_wait3A_82 = arith.constant 0 : i32
    %dma_wait3A_83 = tpu.memref_slice %arg11[%dma_wait3A_81, %dma_wait3A_82] : memref<10240x128xf32, #tpu.memory_space<vmem_shared>> -> memref<10240x128xf32, #tpu.memory_space<vmem_shared>>
    tpu.wait_indirect_dma semaphore(%arg15 : memref<!tpu.dma_semaphore, #tpu.memory_space<semaphore_mem>>) src(%arg10 : memref<128x128xf32, #tpu.memory_space<vmem>>) dst(%dma_wait3A_83 : memref<10240x128xf32, #tpu.memory_space<vmem_shared>>)
    "tpu.region"() ({
      %run_scoped3A = tpu.sem_alloc : memref<!tpu.dma_semaphore, #tpu.memory_space<semaphore_mem>>
      %dma_start3A_113 = arith.constant 40 : i32
      %dma_start3A_114 = arith.constant 0 : i32
      %dma_start3A_115 = tpu.memref_slice %arg3[%add3A, %dma_start3A_113, %dma_start3A_114] : memref<32x80x128xi32, #tpu.memory_space<hbm>> -> memref<1x40x128xi32, #tpu.memory_space<hbm>>
      %dma_start3A_116 = tpu.memref_squeeze %dma_start3A_115 : memref<1x40x128xi32, #tpu.memory_space<hbm>> -> memref<40x128xi32, #tpu.memory_space<hbm>>
      %dma_start3A_117 = arith.constant 40 : i32
      %dma_start3A_118 = arith.constant 0 : i32
      %dma_start3A_119 = tpu.memref_slice %arg3[%add3A, %dma_start3A_117, %dma_start3A_118] : memref<32x80x128xi32, #tpu.memory_space<hbm>> -> memref<1x40x128xi32, #tpu.memory_space<hbm>>
      %dma_start3A_120 = tpu.memref_squeeze %dma_start3A_119 : memref<1x40x128xi32, #tpu.memory_space<hbm>> -> memref<40x128xi32, #tpu.memory_space<hbm>>
      tpu.enqueue_dma source(%dma_start3A_120 : memref<40x128xi32, #tpu.memory_space<hbm>>) target(%arg7 : memref<40x128xi32, #tpu.memory_space<vmem>>) target_semaphore(%run_scoped3A : memref<!tpu.dma_semaphore, #tpu.memory_space<semaphore_mem>>)
      %dma_wait3A_121 = arith.constant 40 : i32
      %dma_wait3A_122 = arith.constant 0 : i32
      %dma_wait3A_123 = tpu.memref_slice %arg3[%add3A, %dma_wait3A_121, %dma_wait3A_122] : memref<32x80x128xi32, #tpu.memory_space<hbm>> -> memref<1x40x128xi32, #tpu.memory_space<hbm>>
      %dma_wait3A_124 = tpu.memref_squeeze %dma_wait3A_123 : memref<1x40x128xi32, #tpu.memory_space<hbm>> -> memref<40x128xi32, #tpu.memory_space<hbm>>
      %dma_wait3A_125 = arith.constant 40 : i32
      %dma_wait3A_126 = arith.constant 0 : i32
      %dma_wait3A_127 = tpu.memref_slice %arg3[%add3A, %dma_wait3A_125, %dma_wait3A_126] : memref<32x80x128xi32, #tpu.memory_space<hbm>> -> memref<1x40x128xi32, #tpu.memory_space<hbm>>
      %dma_wait3A_128 = tpu.memref_squeeze %dma_wait3A_127 : memref<1x40x128xi32, #tpu.memory_space<hbm>> -> memref<40x128xi32, #tpu.memory_space<hbm>>
      tpu.wait_dma2 semaphore(%run_scoped3A : memref<!tpu.dma_semaphore, #tpu.memory_space<semaphore_mem>>) src(%dma_wait3A_128 : memref<40x128xi32, #tpu.memory_space<hbm>>) dst(%arg7 : memref<40x128xi32, #tpu.memory_space<vmem>>)
      tpu.yield
    }) : () -> ()
    "tpu.region"() ({
      %run_scoped3A = tpu.sem_alloc : memref<!tpu.dma_semaphore, #tpu.memory_space<semaphore_mem>>
      %dma_start3A_113 = arith.constant 40 : i32
      %dma_start3A_114 = arith.constant 0 : i32
      %dma_start3A_115 = tpu.memref_slice %arg4[%arg1, %dma_start3A_113, %dma_start3A_114] : memref<16x80x128xi32, #tpu.memory_space<hbm>> -> memref<1x40x128xi32, #tpu.memory_space<hbm>>
      %dma_start3A_116 = tpu.memref_squeeze %dma_start3A_115 : memref<1x40x128xi32, #tpu.memory_space<hbm>> -> memref<40x128xi32, #tpu.memory_space<hbm>>
      %dma_start3A_117 = arith.constant 40 : i32
      %dma_start3A_118 = arith.constant 0 : i32
      %dma_start3A_119 = tpu.memref_slice %arg4[%arg1, %dma_start3A_117, %dma_start3A_118] : memref<16x80x128xi32, #tpu.memory_space<hbm>> -> memref<1x40x128xi32, #tpu.memory_space<hbm>>
      %dma_start3A_120 = tpu.memref_squeeze %dma_start3A_119 : memref<1x40x128xi32, #tpu.memory_space<hbm>> -> memref<40x128xi32, #tpu.memory_space<hbm>>
      tpu.enqueue_dma source(%dma_start3A_120 : memref<40x128xi32, #tpu.memory_space<hbm>>) target(%arg8 : memref<40x128xi32, #tpu.memory_space<vmem>>) target_semaphore(%run_scoped3A : memref<!tpu.dma_semaphore, #tpu.memory_space<semaphore_mem>>)
      %dma_wait3A_121 = arith.constant 40 : i32
      %dma_wait3A_122 = arith.constant 0 : i32
      %dma_wait3A_123 = tpu.memref_slice %arg4[%arg1, %dma_wait3A_121, %dma_wait3A_122] : memref<16x80x128xi32, #tpu.memory_space<hbm>> -> memref<1x40x128xi32, #tpu.memory_space<hbm>>
      %dma_wait3A_124 = tpu.memref_squeeze %dma_wait3A_123 : memref<1x40x128xi32, #tpu.memory_space<hbm>> -> memref<40x128xi32, #tpu.memory_space<hbm>>
      %dma_wait3A_125 = arith.constant 40 : i32
      %dma_wait3A_126 = arith.constant 0 : i32
      %dma_wait3A_127 = tpu.memref_slice %arg4[%arg1, %dma_wait3A_125, %dma_wait3A_126] : memref<16x80x128xi32, #tpu.memory_space<hbm>> -> memref<1x40x128xi32, #tpu.memory_space<hbm>>
      %dma_wait3A_128 = tpu.memref_squeeze %dma_wait3A_127 : memref<1x40x128xi32, #tpu.memory_space<hbm>> -> memref<40x128xi32, #tpu.memory_space<hbm>>
      tpu.wait_dma2 semaphore(%run_scoped3A : memref<!tpu.dma_semaphore, #tpu.memory_space<semaphore_mem>>) src(%dma_wait3A_128 : memref<40x128xi32, #tpu.memory_space<hbm>>) dst(%arg8 : memref<40x128xi32, #tpu.memory_space<vmem>>)
      tpu.yield
    }) : () -> ()
    %dma_start3A_84 = arith.constant 0 : i32
    %dma_start3A_85 = arith.constant 0 : i32
    %dma_start3A_86 = tpu.memref_slice %arg7[%dma_start3A_84, %dma_start3A_85] : memref<40x128xi32, #tpu.memory_space<vmem>> -> memref<1x128xi32, #tpu.memory_space<vmem>>
    %dma_start3A_87 = tpu.memref_squeeze %dma_start3A_86 : memref<1x128xi32, #tpu.memory_space<vmem>> -> memref<128xi32, #tpu.memory_space<vmem>>
    %dma_start3A_88 = arith.constant 0 : i32
    %dma_start3A_89 = arith.constant 0 : i32
    %dma_start3A_90 = tpu.memref_slice %arg2[%dma_start3A_88, %dma_start3A_89] : memref<20480x128xf32, #tpu.memory_space<hbm>> -> memref<20480x128xf32, #tpu.memory_space<hbm>>
    tpu.enqueue_indirect_dma source(%dma_start3A_90 : memref<20480x128xf32, #tpu.memory_space<hbm>>) target(%arg9 : memref<128x128xf32, #tpu.memory_space<vmem>>) offsets(%dma_start3A_87 : memref<128xi32, #tpu.memory_space<vmem>>) semaphore(%arg12 : memref<!tpu.dma_semaphore, #tpu.memory_space<semaphore_mem>>)
    %scan3A_91 = arith.constant 0 : i32
    %scan3A_92 = arith.constant 20 : i32
    %scan3A_93 = arith.addi %scan3A_91, %scan3A_92 : i32
    %scan3A_94 = arith.constant 1 : i32
    scf.for %scan3A_113 = %scan3A_91 to %scan3A_93 step %scan3A_94  : i32 {
      %mul3A_114 = arith.constant 1 : i32
      %mul3A_115 = arith.muli %scan3A_113, %mul3A_114 : i32
      %add3A_116 = arith.constant 0 : i32
      %add3A_117 = arith.addi %add3A_116, %mul3A_115 : i32
      %mul3A_118 = arith.constant 2 : i32
      %mul3A_119 = arith.muli %mul3A_118, %add3A_117 : i32
      %gt3A = arith.constant 0 : i32
      %gt3A_120 = arith.cmpi sgt, %add3A_117, %gt3A : i32
      %convert_element_type3A = arith.extui %gt3A_120 : i1 to i32
      %cond3A = arith.constant 0 : i32
      %cond3A_121 = arith.cmpi ne, %convert_element_type3A, %cond3A : i32
      scf.if %cond3A_121 {
        %dma_wait3A_162 = arith.constant 0 : i32
        %dma_wait3A_163 = arith.constant 0 : i32
        %dma_wait3A_164 = tpu.memref_slice %arg8[%dma_wait3A_162, %dma_wait3A_163] : memref<40x128xi32, #tpu.memory_space<vmem>> -> memref<1x128xi32, #tpu.memory_space<vmem>>
        %dma_wait3A_165 = tpu.memref_squeeze %dma_wait3A_164 : memref<1x128xi32, #tpu.memory_space<vmem>> -> memref<128xi32, #tpu.memory_space<vmem>>
        %dma_wait3A_166 = arith.constant 0 : i32
        %dma_wait3A_167 = arith.constant 0 : i32
        %dma_wait3A_168 = tpu.memref_slice %arg11[%dma_wait3A_166, %dma_wait3A_167] : memref<10240x128xf32, #tpu.memory_space<vmem_shared>> -> memref<10240x128xf32, #tpu.memory_space<vmem_shared>>
        tpu.wait_indirect_dma semaphore(%arg15 : memref<!tpu.dma_semaphore, #tpu.memory_space<semaphore_mem>>) src(%arg10 : memref<128x128xf32, #tpu.memory_space<vmem>>) dst(%dma_wait3A_168 : memref<10240x128xf32, #tpu.memory_space<vmem_shared>>)
      } else {
      }
      %add3A_122 = arith.constant 1 : i32
      %add3A_123 = arith.addi %mul3A_119, %add3A_122 : i32
      %dma_start3A_124 = arith.constant 0 : i32
      %dma_start3A_125 = tpu.memref_slice %arg7[%add3A_123, %dma_start3A_124] : memref<40x128xi32, #tpu.memory_space<vmem>> -> memref<1x128xi32, #tpu.memory_space<vmem>>
      %dma_start3A_126 = tpu.memref_squeeze %dma_start3A_125 : memref<1x128xi32, #tpu.memory_space<vmem>> -> memref<128xi32, #tpu.memory_space<vmem>>
      %dma_start3A_127 = arith.constant 0 : i32
      %dma_start3A_128 = arith.constant 0 : i32
      %dma_start3A_129 = tpu.memref_slice %arg2[%dma_start3A_127, %dma_start3A_128] : memref<20480x128xf32, #tpu.memory_space<hbm>> -> memref<20480x128xf32, #tpu.memory_space<hbm>>
      tpu.enqueue_indirect_dma source(%dma_start3A_129 : memref<20480x128xf32, #tpu.memory_space<hbm>>) target(%arg10 : memref<128x128xf32, #tpu.memory_space<vmem>>) offsets(%dma_start3A_126 : memref<128xi32, #tpu.memory_space<vmem>>) semaphore(%arg13 : memref<!tpu.dma_semaphore, #tpu.memory_space<semaphore_mem>>)
      %dma_wait3A_130 = arith.constant 0 : i32
      %dma_wait3A_131 = arith.constant 0 : i32
      %dma_wait3A_132 = tpu.memref_slice %arg7[%dma_wait3A_130, %dma_wait3A_131] : memref<40x128xi32, #tpu.memory_space<vmem>> -> memref<1x128xi32, #tpu.memory_space<vmem>>
      %dma_wait3A_133 = tpu.memref_squeeze %dma_wait3A_132 : memref<1x128xi32, #tpu.memory_space<vmem>> -> memref<128xi32, #tpu.memory_space<vmem>>
      %dma_wait3A_134 = arith.constant 0 : i32
      %dma_wait3A_135 = arith.constant 0 : i32
      %dma_wait3A_136 = tpu.memref_slice %arg2[%dma_wait3A_134, %dma_wait3A_135] : memref<20480x128xf32, #tpu.memory_space<hbm>> -> memref<20480x128xf32, #tpu.memory_space<hbm>>
      tpu.wait_indirect_dma semaphore(%arg12 : memref<!tpu.dma_semaphore, #tpu.memory_space<semaphore_mem>>) src(%dma_wait3A_136 : memref<20480x128xf32, #tpu.memory_space<hbm>>) dst(%arg9 : memref<128x128xf32, #tpu.memory_space<vmem>>)
      %dma_start3A_137 = arith.constant 0 : i32
      %dma_start3A_138 = tpu.memref_slice %arg8[%mul3A_119, %dma_start3A_137] : memref<40x128xi32, #tpu.memory_space<vmem>> -> memref<1x128xi32, #tpu.memory_space<vmem>>
      %dma_start3A_139 = tpu.memref_squeeze %dma_start3A_138 : memref<1x128xi32, #tpu.memory_space<vmem>> -> memref<128xi32, #tpu.memory_space<vmem>>
      %dma_start3A_140 = arith.constant 0 : i32
      %dma_start3A_141 = arith.constant 0 : i32
      %dma_start3A_142 = tpu.memref_slice %arg11[%dma_start3A_140, %dma_start3A_141] : memref<10240x128xf32, #tpu.memory_space<vmem_shared>> -> memref<10240x128xf32, #tpu.memory_space<vmem_shared>>
      tpu.enqueue_indirect_dma source(%arg9 : memref<128x128xf32, #tpu.memory_space<vmem>>) target(%dma_start3A_142 : memref<10240x128xf32, #tpu.memory_space<vmem_shared>>) offsets(%dma_start3A_139 : memref<128xi32, #tpu.memory_space<vmem>>) semaphore(%arg14 : memref<!tpu.dma_semaphore, #tpu.memory_space<semaphore_mem>>) {add = true}
      %lt3A = arith.constant 19 : i32
      %lt3A_143 = arith.cmpi slt, %add3A_117, %lt3A : i32
      %convert_element_type3A_144 = arith.extui %lt3A_143 : i1 to i32
      %cond3A_145 = arith.constant 0 : i32
      %cond3A_146 = arith.cmpi ne, %convert_element_type3A_144, %cond3A_145 : i32
      scf.if %cond3A_146 {
        %dma_wait3A_162 = arith.constant 0 : i32
        %dma_wait3A_163 = arith.constant 0 : i32
        %dma_wait3A_164 = tpu.memref_slice %arg8[%dma_wait3A_162, %dma_wait3A_163] : memref<40x128xi32, #tpu.memory_space<vmem>> -> memref<1x128xi32, #tpu.memory_space<vmem>>
        %dma_wait3A_165 = tpu.memref_squeeze %dma_wait3A_164 : memref<1x128xi32, #tpu.memory_space<vmem>> -> memref<128xi32, #tpu.memory_space<vmem>>
        %dma_wait3A_166 = arith.constant 0 : i32
        %dma_wait3A_167 = arith.constant 0 : i32
        %dma_wait3A_168 = tpu.memref_slice %arg11[%dma_wait3A_166, %dma_wait3A_167] : memref<10240x128xf32, #tpu.memory_space<vmem_shared>> -> memref<10240x128xf32, #tpu.memory_space<vmem_shared>>
        tpu.wait_indirect_dma semaphore(%arg14 : memref<!tpu.dma_semaphore, #tpu.memory_space<semaphore_mem>>) src(%arg9 : memref<128x128xf32, #tpu.memory_space<vmem>>) dst(%dma_wait3A_168 : memref<10240x128xf32, #tpu.memory_space<vmem_shared>>)
        %add3A_169 = arith.constant 2 : i32
        %add3A_170 = arith.addi %mul3A_119, %add3A_169 : i32
        %dma_start3A_171 = arith.constant 0 : i32
        %dma_start3A_172 = tpu.memref_slice %arg7[%add3A_170, %dma_start3A_171] : memref<40x128xi32, #tpu.memory_space<vmem>> -> memref<1x128xi32, #tpu.memory_space<vmem>>
        %dma_start3A_173 = tpu.memref_squeeze %dma_start3A_172 : memref<1x128xi32, #tpu.memory_space<vmem>> -> memref<128xi32, #tpu.memory_space<vmem>>
        %dma_start3A_174 = arith.constant 0 : i32
        %dma_start3A_175 = arith.constant 0 : i32
        %dma_start3A_176 = tpu.memref_slice %arg2[%dma_start3A_174, %dma_start3A_175] : memref<20480x128xf32, #tpu.memory_space<hbm>> -> memref<20480x128xf32, #tpu.memory_space<hbm>>
        tpu.enqueue_indirect_dma source(%dma_start3A_176 : memref<20480x128xf32, #tpu.memory_space<hbm>>) target(%arg9 : memref<128x128xf32, #tpu.memory_space<vmem>>) offsets(%dma_start3A_173 : memref<128xi32, #tpu.memory_space<vmem>>) semaphore(%arg12 : memref<!tpu.dma_semaphore, #tpu.memory_space<semaphore_mem>>)
      } else {
      }
      %dma_wait3A_147 = arith.constant 0 : i32
      %dma_wait3A_148 = arith.constant 0 : i32
      %dma_wait3A_149 = tpu.memref_slice %arg7[%dma_wait3A_147, %dma_wait3A_148] : memref<40x128xi32, #tpu.memory_space<vmem>> -> memref<1x128xi32, #tpu.memory_space<vmem>>
      %dma_wait3A_150 = tpu.memref_squeeze %dma_wait3A_149 : memref<1x128xi32, #tpu.memory_space<vmem>> -> memref<128xi32, #tpu.memory_space<vmem>>
      %dma_wait3A_151 = arith.constant 0 : i32
      %dma_wait3A_152 = arith.constant 0 : i32
      %dma_wait3A_153 = tpu.memref_slice %arg2[%dma_wait3A_151, %dma_wait3A_152] : memref<20480x128xf32, #tpu.memory_space<hbm>> -> memref<20480x128xf32, #tpu.memory_space<hbm>>
      tpu.wait_indirect_dma semaphore(%arg13 : memref<!tpu.dma_semaphore, #tpu.memory_space<semaphore_mem>>) src(%dma_wait3A_153 : memref<20480x128xf32, #tpu.memory_space<hbm>>) dst(%arg10 : memref<128x128xf32, #tpu.memory_space<vmem>>)
      %add3A_154 = arith.constant 1 : i32
      %add3A_155 = arith.addi %mul3A_119, %add3A_154 : i32
      %dma_start3A_156 = arith.constant 0 : i32
      %dma_start3A_157 = tpu.memref_slice %arg8[%add3A_155, %dma_start3A_156] : memref<40x128xi32, #tpu.memory_space<vmem>> -> memref<1x128xi32, #tpu.memory_space<vmem>>
      %dma_start3A_158 = tpu.memref_squeeze %dma_start3A_157 : memref<1x128xi32, #tpu.memory_space<vmem>> -> memref<128xi32, #tpu.memory_space<vmem>>
      %dma_start3A_159 = arith.constant 0 : i32
      %dma_start3A_160 = arith.constant 0 : i32
      %dma_start3A_161 = tpu.memref_slice %arg11[%dma_start3A_159, %dma_start3A_160] : memref<10240x128xf32, #tpu.memory_space<vmem_shared>> -> memref<10240x128xf32, #tpu.memory_space<vmem_shared>>
      tpu.enqueue_indirect_dma source(%arg10 : memref<128x128xf32, #tpu.memory_space<vmem>>) target(%dma_start3A_161 : memref<10240x128xf32, #tpu.memory_space<vmem_shared>>) offsets(%dma_start3A_158 : memref<128xi32, #tpu.memory_space<vmem>>) semaphore(%arg15 : memref<!tpu.dma_semaphore, #tpu.memory_space<semaphore_mem>>) {add = true}
    }
    %scan3A_95 = arith.constant 20 : i32
    %dma_wait3A_96 = arith.constant 0 : i32
    %dma_wait3A_97 = arith.constant 0 : i32
    %dma_wait3A_98 = tpu.memref_slice %arg8[%dma_wait3A_96, %dma_wait3A_97] : memref<40x128xi32, #tpu.memory_space<vmem>> -> memref<1x128xi32, #tpu.memory_space<vmem>>
    %dma_wait3A_99 = tpu.memref_squeeze %dma_wait3A_98 : memref<1x128xi32, #tpu.memory_space<vmem>> -> memref<128xi32, #tpu.memory_space<vmem>>
    %dma_wait3A_100 = arith.constant 0 : i32
    %dma_wait3A_101 = arith.constant 0 : i32
    %dma_wait3A_102 = tpu.memref_slice %arg11[%dma_wait3A_100, %dma_wait3A_101] : memref<10240x128xf32, #tpu.memory_space<vmem_shared>> -> memref<10240x128xf32, #tpu.memory_space<vmem_shared>>
    tpu.wait_indirect_dma semaphore(%arg14 : memref<!tpu.dma_semaphore, #tpu.memory_space<semaphore_mem>>) src(%arg9 : memref<128x128xf32, #tpu.memory_space<vmem>>) dst(%dma_wait3A_102 : memref<10240x128xf32, #tpu.memory_space<vmem_shared>>)
    %dma_wait3A_103 = arith.constant 0 : i32
    %dma_wait3A_104 = arith.constant 0 : i32
    %dma_wait3A_105 = tpu.memref_slice %arg8[%dma_wait3A_103, %dma_wait3A_104] : memref<40x128xi32, #tpu.memory_space<vmem>> -> memref<1x128xi32, #tpu.memory_space<vmem>>
    %dma_wait3A_106 = tpu.memref_squeeze %dma_wait3A_105 : memref<1x128xi32, #tpu.memory_space<vmem>> -> memref<128xi32, #tpu.memory_space<vmem>>
    %dma_wait3A_107 = arith.constant 0 : i32
    %dma_wait3A_108 = arith.constant 0 : i32
    %dma_wait3A_109 = tpu.memref_slice %arg11[%dma_wait3A_107, %dma_wait3A_108] : memref<10240x128xf32, #tpu.memory_space<vmem_shared>> -> memref<10240x128xf32, #tpu.memory_space<vmem_shared>>
    tpu.wait_indirect_dma semaphore(%arg15 : memref<!tpu.dma_semaphore, #tpu.memory_space<semaphore_mem>>) src(%arg10 : memref<128x128xf32, #tpu.memory_space<vmem>>) dst(%dma_wait3A_109 : memref<10240x128xf32, #tpu.memory_space<vmem_shared>>)
    %barrier3A_110 = arith.constant 0 : index
    tpu.barrier barrier_id(%barrier3A_110)
    %mul3A_111 = arith.constant 625 : i32
    %mul3A_112 = arith.muli %arg1, %mul3A_111 : i32
    "tpu.region"() ({
      %run_scoped3A = tpu.sem_alloc : memref<!tpu.dma_semaphore, #tpu.memory_space<semaphore_mem>>
      %dma_start3A_113 = arith.constant 0 : i32
      %dma_start3A_114 = arith.constant 0 : i32
      %dma_start3A_115 = tpu.memref_slice %arg6[%add3A, %dma_start3A_113, %dma_start3A_114] : memref<32x625x128xf32, #tpu.memory_space<hbm>> -> memref<1x625x128xf32, #tpu.memory_space<hbm>>
      %dma_start3A_116 = tpu.memref_squeeze %dma_start3A_115 : memref<1x625x128xf32, #tpu.memory_space<hbm>> -> memref<625x128xf32, #tpu.memory_space<hbm>>
      %dma_start3A_117 = arith.constant 0 : i32
      %dma_start3A_118 = tpu.memref_slice %arg11[%mul3A_112, %dma_start3A_117] : memref<10240x128xf32, #tpu.memory_space<vmem_shared>> -> memref<625x128xf32, #tpu.memory_space<vmem_shared>>
      tpu.enqueue_dma source(%dma_start3A_118 : memref<625x128xf32, #tpu.memory_space<vmem_shared>>) target(%dma_start3A_116 : memref<625x128xf32, #tpu.memory_space<hbm>>) target_semaphore(%run_scoped3A : memref<!tpu.dma_semaphore, #tpu.memory_space<semaphore_mem>>)
      %dma_wait3A_119 = arith.constant 0 : i32
      %dma_wait3A_120 = arith.constant 0 : i32
      %dma_wait3A_121 = tpu.memref_slice %arg6[%add3A, %dma_wait3A_119, %dma_wait3A_120] : memref<32x625x128xf32, #tpu.memory_space<hbm>> -> memref<1x625x128xf32, #tpu.memory_space<hbm>>
      %dma_wait3A_122 = tpu.memref_squeeze %dma_wait3A_121 : memref<1x625x128xf32, #tpu.memory_space<hbm>> -> memref<625x128xf32, #tpu.memory_space<hbm>>
      %dma_wait3A_123 = arith.constant 0 : i32
      %dma_wait3A_124 = tpu.memref_slice %arg11[%mul3A_112, %dma_wait3A_123] : memref<10240x128xf32, #tpu.memory_space<vmem_shared>> -> memref<625x128xf32, #tpu.memory_space<vmem_shared>>
      tpu.wait_dma2 semaphore(%run_scoped3A : memref<!tpu.dma_semaphore, #tpu.memory_space<semaphore_mem>>) src(%dma_wait3A_124 : memref<625x128xf32, #tpu.memory_space<vmem_shared>>) dst(%dma_wait3A_122 : memref<625x128xf32, #tpu.memory_space<hbm>>)
      tpu.yield
    }) : () -> ()
    return
  }
}

#map = affine_map<(d0, d1) -> (0, 0, 0)>
#map1 = affine_map<(d0, d1) -> (0)>
module attributes {stable_mosaic.version = 14 : i64} {
  func.func @_deg_body(%arg0: i32, %arg1: i32, %arg2: memref<32x40x128xi32, #tpu.memory_space<hbm>>, %arg3: memref<640xf32, #tpu.memory_space<hbm>>, %arg4: memref<32x5x128xf32, #tpu.memory_space<hbm>>, %arg5: memref<40x128xi32, #tpu.memory_space<vmem>>, %arg6: memref<128xf32, #tpu.memory_space<vmem>>, %arg7: memref<640xf32, #tpu.memory_space<vmem>>, %arg8: memref<5x128xf32, #tpu.memory_space<vmem>>, %arg9: memref<10240xf32, #tpu.memory_space<vmem_shared>>, %arg10: memref<!tpu.dma_semaphore, #tpu.memory_space<semaphore_mem>>, %arg11: memref<!tpu.dma_semaphore, #tpu.memory_space<semaphore_mem>>) attributes {dimension_semantics = [#tpu.dimension_semantics<core_parallel>, #tpu.dimension_semantics<subcore_parallel>], iteration_bounds = array<i64: 2, 16>, scalar_prefetch = 0 : i64, scratch_operands = 7 : i64, tpu.core_type = #tpu.core_type<sc_vector_subcore>, window_params = [{transform_indices = #map}, {transform_indices = #map1}, {transform_indices = #map}]} {
    %mul3A = arith.constant 16 : i32
    %mul3A_0 = arith.muli %arg0, %mul3A : i32
    %add3A = arith.addi %mul3A_0, %arg1 : i32
    %broadcast_in_dim3A = arith.constant 1.000000e+00 : f32
    %broadcast_in_dim3A_1 = vector.broadcast %broadcast_in_dim3A : f32 to vector<16xf32>
    %scan3A = arith.constant 0 : i32
    %scan3A_2 = arith.constant 8 : i32
    %scan3A_3 = arith.addi %scan3A, %scan3A_2 : i32
    %scan3A_4 = arith.constant 1 : i32
    scf.for %scan3A_32 = %scan3A to %scan3A_3 step %scan3A_4  : i32 {
      %mul3A_33 = arith.constant 1 : i32
      %mul3A_34 = arith.muli %scan3A_32, %mul3A_33 : i32
      %add3A_35 = arith.constant 0 : i32
      %add3A_36 = arith.addi %add3A_35, %mul3A_34 : i32
      %mul3A_37 = arith.constant 16 : i32
      %mul3A_38 = arith.muli %add3A_36, %mul3A_37 : i32
      %swap3A = arith.index_cast %mul3A_38 : i32 to index
      %swap3A_39 = tpu.vector_load %arg6[%swap3A] {strides = array<i32>} : memref<128xf32, #tpu.memory_space<vmem>>, vector<16xf32>,
      %swap3A_40 = vector.shape_cast %swap3A_39 : vector<16xf32> to vector<16xf32>
      %swap3A_41 = vector.shape_cast %broadcast_in_dim3A_1 : vector<16xf32> to vector<16xf32>
      tpu.vector_store %arg6[%swap3A], %swap3A_41 {strides = array<i32>} : memref<128xf32, #tpu.memory_space<vmem>>, vector<16xf32>,
    }
    %scan3A_5 = arith.constant 8 : i32
    %mul3A_6 = arith.constant 640 : i32
    %mul3A_7 = arith.muli %arg1, %mul3A_6 : i32
    "tpu.region"() ({
      %run_scoped3A = tpu.sem_alloc : memref<!tpu.dma_semaphore, #tpu.memory_space<semaphore_mem>>
      %dma_start3A = tpu.memref_slice %arg9[%mul3A_7] : memref<10240xf32, #tpu.memory_space<vmem_shared>> -> memref<640xf32, #tpu.memory_space<vmem_shared>>
      tpu.enqueue_dma source(%arg3 : memref<640xf32, #tpu.memory_space<hbm>>) target(%dma_start3A : memref<640xf32, #tpu.memory_space<vmem_shared>>) target_semaphore(%run_scoped3A : memref<!tpu.dma_semaphore, #tpu.memory_space<semaphore_mem>>)
      %dma_wait3A_32 = tpu.memref_slice %arg9[%mul3A_7] : memref<10240xf32, #tpu.memory_space<vmem_shared>> -> memref<640xf32, #tpu.memory_space<vmem_shared>>
      tpu.wait_dma2 semaphore(%run_scoped3A : memref<!tpu.dma_semaphore, #tpu.memory_space<semaphore_mem>>) src(%arg3 : memref<640xf32, #tpu.memory_space<hbm>>) dst(%dma_wait3A_32 : memref<640xf32, #tpu.memory_space<vmem_shared>>)
      tpu.yield
    }) : () -> ()
    "tpu.region"() ({
      %run_scoped3A = tpu.sem_alloc : memref<!tpu.dma_semaphore, #tpu.memory_space<semaphore_mem>>
      %dma_start3A = arith.constant 0 : i32
      %dma_start3A_32 = arith.constant 0 : i32
      %dma_start3A_33 = tpu.memref_slice %arg2[%add3A, %dma_start3A, %dma_start3A_32] : memref<32x40x128xi32, #tpu.memory_space<hbm>> -> memref<1x40x128xi32, #tpu.memory_space<hbm>>
      %dma_start3A_34 = tpu.memref_squeeze %dma_start3A_33 : memref<1x40x128xi32, #tpu.memory_space<hbm>> -> memref<40x128xi32, #tpu.memory_space<hbm>>
      %dma_start3A_35 = arith.constant 0 : i32
      %dma_start3A_36 = arith.constant 0 : i32
      %dma_start3A_37 = tpu.memref_slice %arg2[%add3A, %dma_start3A_35, %dma_start3A_36] : memref<32x40x128xi32, #tpu.memory_space<hbm>> -> memref<1x40x128xi32, #tpu.memory_space<hbm>>
      %dma_start3A_38 = tpu.memref_squeeze %dma_start3A_37 : memref<1x40x128xi32, #tpu.memory_space<hbm>> -> memref<40x128xi32, #tpu.memory_space<hbm>>
      tpu.enqueue_dma source(%dma_start3A_38 : memref<40x128xi32, #tpu.memory_space<hbm>>) target(%arg5 : memref<40x128xi32, #tpu.memory_space<vmem>>) target_semaphore(%run_scoped3A : memref<!tpu.dma_semaphore, #tpu.memory_space<semaphore_mem>>)
      %dma_wait3A_39 = arith.constant 0 : i32
      %dma_wait3A_40 = arith.constant 0 : i32
      %dma_wait3A_41 = tpu.memref_slice %arg2[%add3A, %dma_wait3A_39, %dma_wait3A_40] : memref<32x40x128xi32, #tpu.memory_space<hbm>> -> memref<1x40x128xi32, #tpu.memory_space<hbm>>
      %dma_wait3A_42 = tpu.memref_squeeze %dma_wait3A_41 : memref<1x40x128xi32, #tpu.memory_space<hbm>> -> memref<40x128xi32, #tpu.memory_space<hbm>>
      %dma_wait3A_43 = arith.constant 0 : i32
      %dma_wait3A_44 = arith.constant 0 : i32
      %dma_wait3A_45 = tpu.memref_slice %arg2[%add3A, %dma_wait3A_43, %dma_wait3A_44] : memref<32x40x128xi32, #tpu.memory_space<hbm>> -> memref<1x40x128xi32, #tpu.memory_space<hbm>>
      %dma_wait3A_46 = tpu.memref_squeeze %dma_wait3A_45 : memref<1x40x128xi32, #tpu.memory_space<hbm>> -> memref<40x128xi32, #tpu.memory_space<hbm>>
      tpu.wait_dma2 semaphore(%run_scoped3A : memref<!tpu.dma_semaphore, #tpu.memory_space<semaphore_mem>>) src(%dma_wait3A_46 : memref<40x128xi32, #tpu.memory_space<hbm>>) dst(%arg5 : memref<40x128xi32, #tpu.memory_space<vmem>>)
      tpu.yield
    }) : () -> ()
    %barrier3A = arith.constant 0 : index
    tpu.barrier barrier_id(%barrier3A)
    %scan3A_8 = arith.constant 0 : i32
    %scan3A_9 = arith.constant 20 : i32
    %scan3A_10 = arith.addi %scan3A_8, %scan3A_9 : i32
    %scan3A_11 = arith.constant 1 : i32
    scf.for %scan3A_32 = %scan3A_8 to %scan3A_10 step %scan3A_11  : i32 {
      %mul3A_33 = arith.constant 1 : i32
      %mul3A_34 = arith.muli %scan3A_32, %mul3A_33 : i32
      %add3A_35 = arith.constant 0 : i32
      %add3A_36 = arith.addi %add3A_35, %mul3A_34 : i32
      %mul3A_37 = arith.constant 2 : i32
      %mul3A_38 = arith.muli %mul3A_37, %add3A_36 : i32
      %gt3A = arith.constant 0 : i32
      %gt3A_39 = arith.cmpi sgt, %add3A_36, %gt3A : i32
      %convert_element_type3A = arith.extui %gt3A_39 : i1 to i32
      %cond3A = arith.constant 0 : i32
      %cond3A_40 = arith.cmpi ne, %convert_element_type3A, %cond3A : i32
      scf.if %cond3A_40 {
        %dma_wait3A_52 = arith.constant 0 : i32
        %dma_wait3A_53 = arith.constant 0 : i32
        %dma_wait3A_54 = tpu.memref_slice %arg5[%dma_wait3A_52, %dma_wait3A_53] : memref<40x128xi32, #tpu.memory_space<vmem>> -> memref<1x128xi32, #tpu.memory_space<vmem>>
        %dma_wait3A_55 = tpu.memref_squeeze %dma_wait3A_54 : memref<1x128xi32, #tpu.memory_space<vmem>> -> memref<128xi32, #tpu.memory_space<vmem>>
        %dma_wait3A_56 = arith.constant 0 : i32
        %dma_wait3A_57 = tpu.memref_slice %arg9[%dma_wait3A_56] : memref<10240xf32, #tpu.memory_space<vmem_shared>> -> memref<10240xf32, #tpu.memory_space<vmem_shared>>
        tpu.wait_indirect_dma semaphore(%arg10 : memref<!tpu.dma_semaphore, #tpu.memory_space<semaphore_mem>>) src(%arg6 : memref<128xf32, #tpu.memory_space<vmem>>) dst(%dma_wait3A_57 : memref<10240xf32, #tpu.memory_space<vmem_shared>>)
        %dma_wait3A_58 = arith.constant 0 : i32
        %dma_wait3A_59 = arith.constant 0 : i32
        %dma_wait3A_60 = tpu.memref_slice %arg5[%dma_wait3A_58, %dma_wait3A_59] : memref<40x128xi32, #tpu.memory_space<vmem>> -> memref<1x128xi32, #tpu.memory_space<vmem>>
        %dma_wait3A_61 = tpu.memref_squeeze %dma_wait3A_60 : memref<1x128xi32, #tpu.memory_space<vmem>> -> memref<128xi32, #tpu.memory_space<vmem>>
        %dma_wait3A_62 = arith.constant 0 : i32
        %dma_wait3A_63 = tpu.memref_slice %arg9[%dma_wait3A_62] : memref<10240xf32, #tpu.memory_space<vmem_shared>> -> memref<10240xf32, #tpu.memory_space<vmem_shared>>
        tpu.wait_indirect_dma semaphore(%arg11 : memref<!tpu.dma_semaphore, #tpu.memory_space<semaphore_mem>>) src(%arg6 : memref<128xf32, #tpu.memory_space<vmem>>) dst(%dma_wait3A_63 : memref<10240xf32, #tpu.memory_space<vmem_shared>>)
      } else {
      }
      %dma_start3A = arith.constant 0 : i32
      %dma_start3A_41 = tpu.memref_slice %arg5[%mul3A_38, %dma_start3A] : memref<40x128xi32, #tpu.memory_space<vmem>> -> memref<1x128xi32, #tpu.memory_space<vmem>>
      %dma_start3A_42 = tpu.memref_squeeze %dma_start3A_41 : memref<1x128xi32, #tpu.memory_space<vmem>> -> memref<128xi32, #tpu.memory_space<vmem>>
      %dma_start3A_43 = arith.constant 0 : i32
      %dma_start3A_44 = tpu.memref_slice %arg9[%dma_start3A_43] : memref<10240xf32, #tpu.memory_space<vmem_shared>> -> memref<10240xf32, #tpu.memory_space<vmem_shared>>
      tpu.enqueue_indirect_dma source(%arg6 : memref<128xf32, #tpu.memory_space<vmem>>) target(%dma_start3A_44 : memref<10240xf32, #tpu.memory_space<vmem_shared>>) offsets(%dma_start3A_42 : memref<128xi32, #tpu.memory_space<vmem>>) semaphore(%arg10 : memref<!tpu.dma_semaphore, #tpu.memory_space<semaphore_mem>>) {add = true}
      %add3A_45 = arith.constant 1 : i32
      %add3A_46 = arith.addi %mul3A_38, %add3A_45 : i32
      %dma_start3A_47 = arith.constant 0 : i32
      %dma_start3A_48 = tpu.memref_slice %arg5[%add3A_46, %dma_start3A_47] : memref<40x128xi32, #tpu.memory_space<vmem>> -> memref<1x128xi32, #tpu.memory_space<vmem>>
      %dma_start3A_49 = tpu.memref_squeeze %dma_start3A_48 : memref<1x128xi32, #tpu.memory_space<vmem>> -> memref<128xi32, #tpu.memory_space<vmem>>
      %dma_start3A_50 = arith.constant 0 : i32
      %dma_start3A_51 = tpu.memref_slice %arg9[%dma_start3A_50] : memref<10240xf32, #tpu.memory_space<vmem_shared>> -> memref<10240xf32, #tpu.memory_space<vmem_shared>>
      tpu.enqueue_indirect_dma source(%arg6 : memref<128xf32, #tpu.memory_space<vmem>>) target(%dma_start3A_51 : memref<10240xf32, #tpu.memory_space<vmem_shared>>) offsets(%dma_start3A_49 : memref<128xi32, #tpu.memory_space<vmem>>) semaphore(%arg11 : memref<!tpu.dma_semaphore, #tpu.memory_space<semaphore_mem>>) {add = true}
    }
    %scan3A_12 = arith.constant 20 : i32
    %dma_wait3A = arith.constant 0 : i32
    %dma_wait3A_13 = arith.constant 0 : i32
    %dma_wait3A_14 = tpu.memref_slice %arg5[%dma_wait3A, %dma_wait3A_13] : memref<40x128xi32, #tpu.memory_space<vmem>> -> memref<1x128xi32, #tpu.memory_space<vmem>>
    %dma_wait3A_15 = tpu.memref_squeeze %dma_wait3A_14 : memref<1x128xi32, #tpu.memory_space<vmem>> -> memref<128xi32, #tpu.memory_space<vmem>>
    %dma_wait3A_16 = arith.constant 0 : i32
    %dma_wait3A_17 = tpu.memref_slice %arg9[%dma_wait3A_16] : memref<10240xf32, #tpu.memory_space<vmem_shared>> -> memref<10240xf32, #tpu.memory_space<vmem_shared>>
    tpu.wait_indirect_dma semaphore(%arg10 : memref<!tpu.dma_semaphore, #tpu.memory_space<semaphore_mem>>) src(%arg6 : memref<128xf32, #tpu.memory_space<vmem>>) dst(%dma_wait3A_17 : memref<10240xf32, #tpu.memory_space<vmem_shared>>)
    %dma_wait3A_18 = arith.constant 0 : i32
    %dma_wait3A_19 = arith.constant 0 : i32
    %dma_wait3A_20 = tpu.memref_slice %arg5[%dma_wait3A_18, %dma_wait3A_19] : memref<40x128xi32, #tpu.memory_space<vmem>> -> memref<1x128xi32, #tpu.memory_space<vmem>>
    %dma_wait3A_21 = tpu.memref_squeeze %dma_wait3A_20 : memref<1x128xi32, #tpu.memory_space<vmem>> -> memref<128xi32, #tpu.memory_space<vmem>>
    %dma_wait3A_22 = arith.constant 0 : i32
    %dma_wait3A_23 = tpu.memref_slice %arg9[%dma_wait3A_22] : memref<10240xf32, #tpu.memory_space<vmem_shared>> -> memref<10240xf32, #tpu.memory_space<vmem_shared>>
    tpu.wait_indirect_dma semaphore(%arg11 : memref<!tpu.dma_semaphore, #tpu.memory_space<semaphore_mem>>) src(%arg6 : memref<128xf32, #tpu.memory_space<vmem>>) dst(%dma_wait3A_23 : memref<10240xf32, #tpu.memory_space<vmem_shared>>)
    %barrier3A_24 = arith.constant 0 : index
    tpu.barrier barrier_id(%barrier3A_24)
    %mul3A_25 = arith.constant 640 : i32
    %mul3A_26 = arith.muli %arg1, %mul3A_25 : i32
    "tpu.region"() ({
      %run_scoped3A = tpu.sem_alloc : memref<!tpu.dma_semaphore, #tpu.memory_space<semaphore_mem>>
      %dma_start3A = tpu.memref_slice %arg9[%mul3A_26] : memref<10240xf32, #tpu.memory_space<vmem_shared>> -> memref<640xf32, #tpu.memory_space<vmem_shared>>
      %dma_start3A_32 = tpu.memref_slice %arg9[%mul3A_26] : memref<10240xf32, #tpu.memory_space<vmem_shared>> -> memref<640xf32, #tpu.memory_space<vmem_shared>>
      tpu.enqueue_dma source(%dma_start3A_32 : memref<640xf32, #tpu.memory_space<vmem_shared>>) target(%arg7 : memref<640xf32, #tpu.memory_space<vmem>>) target_semaphore(%run_scoped3A : memref<!tpu.dma_semaphore, #tpu.memory_space<semaphore_mem>>)
      %dma_wait3A_33 = tpu.memref_slice %arg9[%mul3A_26] : memref<10240xf32, #tpu.memory_space<vmem_shared>> -> memref<640xf32, #tpu.memory_space<vmem_shared>>
      %dma_wait3A_34 = tpu.memref_slice %arg9[%mul3A_26] : memref<10240xf32, #tpu.memory_space<vmem_shared>> -> memref<640xf32, #tpu.memory_space<vmem_shared>>
      tpu.wait_dma2 semaphore(%run_scoped3A : memref<!tpu.dma_semaphore, #tpu.memory_space<semaphore_mem>>) src(%dma_wait3A_34 : memref<640xf32, #tpu.memory_space<vmem_shared>>) dst(%arg7 : memref<640xf32, #tpu.memory_space<vmem>>)
      tpu.yield
    }) : () -> ()
    %scan3A_27 = arith.constant 0 : i32
    %scan3A_28 = arith.constant 40 : i32
    %scan3A_29 = arith.addi %scan3A_27, %scan3A_28 : i32
    %scan3A_30 = arith.constant 1 : i32
    scf.for %scan3A_32 = %scan3A_27 to %scan3A_29 step %scan3A_30  : i32 {
      %mul3A_33 = arith.constant 1 : i32
      %mul3A_34 = arith.muli %scan3A_32, %mul3A_33 : i32
      %add3A_35 = arith.constant 0 : i32
      %add3A_36 = arith.addi %add3A_35, %mul3A_34 : i32
      %mul3A_37 = arith.constant 16 : i32
      %mul3A_38 = arith.muli %add3A_36, %mul3A_37 : i32
      %get3A = arith.index_cast %mul3A_38 : i32 to index
      %get3A_39 = tpu.vector_load %arg7[%get3A] {strides = array<i32>} : memref<640xf32, #tpu.memory_space<vmem>>, vector<16xf32>,
      %get3A_40 = vector.shape_cast %get3A_39 : vector<16xf32> to vector<16xf32>
      %jit3A = arith.constant 8 : i32
      %div3A = arith.divsi %add3A_36, %jit3A : i32
      %sign3A = arith.constant 0 : i32
      %sign3A_41 = arith.cmpi sgt, %add3A_36, %sign3A : i32
      %sign3A_42 = arith.extui %sign3A_41 : i1 to i32
      %sign3A_43 = arith.constant 0 : i32
      %sign3A_44 = arith.cmpi slt, %add3A_36, %sign3A_43 : i32
      %sign3A_45 = arith.extui %sign3A_44 : i1 to i32
      %sign3A_46 = arith.subi %sign3A_42, %sign3A_45 : i32
      %sign3A_47 = arith.constant 0 : i32
      %sign3A_48 = arith.cmpi sgt, %jit3A, %sign3A_47 : i32
      %sign3A_49 = arith.extui %sign3A_48 : i1 to i32
      %sign3A_50 = arith.constant 0 : i32
      %sign3A_51 = arith.cmpi slt, %jit3A, %sign3A_50 : i32
      %sign3A_52 = arith.extui %sign3A_51 : i1 to i32
      %sign3A_53 = arith.subi %sign3A_49, %sign3A_52 : i32
      %ne3A = arith.cmpi ne, %sign3A_46, %sign3A_53 : i32
      %rem3A = arith.remsi %add3A_36, %jit3A : i32
      %ne3A_54 = arith.constant 0 : i32
      %ne3A_55 = arith.cmpi ne, %rem3A, %ne3A_54 : i32
      %and3A = arith.andi %ne3A, %ne3A_55 : i1
      %sub3A = arith.constant 1 : i32
      %sub3A_56 = arith.subi %div3A, %sub3A : i32
      %select_n3A = arith.select %and3A, %sub3A_56, %div3A : i32
      %jit3A_57 = arith.constant 8 : i32
      %eq3A = arith.constant 0 : i32
      %eq3A_58 = arith.cmpi eq, %jit3A_57, %eq3A : i32
      %jit3A_59 = arith.constant 1 : i32
      %select_n3A_60 = arith.select %eq3A_58, %jit3A_59, %jit3A_57 : i32
      %rem3A_61 = arith.remsi %add3A_36, %select_n3A_60 : i32
      %ne3A_62 = arith.constant 0 : i32
      %ne3A_63 = arith.cmpi ne, %rem3A_61, %ne3A_62 : i32
      %lt3A = arith.constant 0 : i32
      %lt3A_64 = arith.cmpi slt, %rem3A_61, %lt3A : i32
      %lt3A_65 = arith.constant 0 : i32
      %lt3A_66 = arith.cmpi slt, %select_n3A_60, %lt3A_65 : i32
      %ne3A_67 = arith.xori %lt3A_64, %lt3A_66 : i1
      %and3A_68 = arith.andi %ne3A_67, %ne3A_63 : i1
      %add3A_69 = arith.addi %rem3A_61, %select_n3A_60 : i32
      %select_n3A_70 = arith.select %and3A_68, %add3A_69, %rem3A_61 : i32
      %mul3A_71 = arith.constant 16 : i32
      %mul3A_72 = arith.muli %select_n3A_70, %mul3A_71 : i32
      %swap3A = arith.index_cast %select_n3A : i32 to index
      %swap3A_73 = arith.index_cast %mul3A_72 : i32 to index
      %swap3A_74 = tpu.vector_load %arg8[%swap3A, %swap3A_73] {strides = array<i32>} : memref<5x128xf32, #tpu.memory_space<vmem>>, vector<1x16xf32>,
      %swap3A_75 = vector.shape_cast %swap3A_74 : vector<1x16xf32> to vector<16xf32>
      %swap3A_76 = vector.shape_cast %get3A_40 : vector<16xf32> to vector<1x16xf32>
      tpu.vector_store %arg8[%swap3A, %swap3A_73], %swap3A_76 {strides = array<i32>} : memref<5x128xf32, #tpu.memory_space<vmem>>, vector<1x16xf32>,
    }
    %scan3A_31 = arith.constant 40 : i32
    "tpu.region"() ({
      %run_scoped3A = tpu.sem_alloc : memref<!tpu.dma_semaphore, #tpu.memory_space<semaphore_mem>>
      %dma_start3A = arith.constant 0 : i32
      %dma_start3A_32 = arith.constant 0 : i32
      %dma_start3A_33 = tpu.memref_slice %arg4[%add3A, %dma_start3A, %dma_start3A_32] : memref<32x5x128xf32, #tpu.memory_space<hbm>> -> memref<1x5x128xf32, #tpu.memory_space<hbm>>
      %dma_start3A_34 = tpu.memref_squeeze %dma_start3A_33 : memref<1x5x128xf32, #tpu.memory_space<hbm>> -> memref<5x128xf32, #tpu.memory_space<hbm>>
      %dma_start3A_35 = arith.constant 0 : i32
      %dma_start3A_36 = arith.constant 0 : i32
      %dma_start3A_37 = tpu.memref_slice %arg4[%add3A, %dma_start3A_35, %dma_start3A_36] : memref<32x5x128xf32, #tpu.memory_space<hbm>> -> memref<1x5x128xf32, #tpu.memory_space<hbm>>
      %dma_start3A_38 = tpu.memref_squeeze %dma_start3A_37 : memref<1x5x128xf32, #tpu.memory_space<hbm>> -> memref<5x128xf32, #tpu.memory_space<hbm>>
      tpu.enqueue_dma source(%arg8 : memref<5x128xf32, #tpu.memory_space<vmem>>) target(%dma_start3A_38 : memref<5x128xf32, #tpu.memory_space<hbm>>) target_semaphore(%run_scoped3A : memref<!tpu.dma_semaphore, #tpu.memory_space<semaphore_mem>>)
      %dma_wait3A_39 = arith.constant 0 : i32
      %dma_wait3A_40 = arith.constant 0 : i32
      %dma_wait3A_41 = tpu.memref_slice %arg4[%add3A, %dma_wait3A_39, %dma_wait3A_40] : memref<32x5x128xf32, #tpu.memory_space<hbm>> -> memref<1x5x128xf32, #tpu.memory_space<hbm>>
      %dma_wait3A_42 = tpu.memref_squeeze %dma_wait3A_41 : memref<1x5x128xf32, #tpu.memory_space<hbm>> -> memref<5x128xf32, #tpu.memory_space<hbm>>
      %dma_wait3A_43 = arith.constant 0 : i32
      %dma_wait3A_44 = arith.constant 0 : i32
      %dma_wait3A_45 = tpu.memref_slice %arg4[%add3A, %dma_wait3A_43, %dma_wait3A_44] : memref<32x5x128xf32, #tpu.memory_space<hbm>> -> memref<1x5x128xf32, #tpu.memory_space<hbm>>
      %dma_wait3A_46 = tpu.memref_squeeze %dma_wait3A_45 : memref<1x5x128xf32, #tpu.memory_space<hbm>> -> memref<5x128xf32, #tpu.memory_space<hbm>>
      tpu.wait_dma2 semaphore(%run_scoped3A : memref<!tpu.dma_semaphore, #tpu.memory_space<semaphore_mem>>) src(%arg8 : memref<5x128xf32, #tpu.memory_space<vmem>>) dst(%dma_wait3A_46 : memref<5x128xf32, #tpu.memory_space<hbm>>)
      tpu.yield
    }) : () -> ()
    return
  }
}

module attributes {stable_mosaic.version = 14 : i64} {
  func.func @_k2_body(%arg0: i32, %arg1: memref<2048x256xf32, #tpu.memory_space<vmem>>, %arg2: memref<256x256xf32, #tpu.memory_space<vmem>>, %arg3: memref<2x128xf32, #tpu.memory_space<vmem>>, %arg4: memref<2x2048xf32, #tpu.memory_space<vmem>>, %arg5: memref<2x2048x128xf32, #tpu.memory_space<vmem>>, %arg6: memref<2048x1xf32, #tpu.memory_space<vmem>>) attributes {dimension_semantics = [#tpu.dimension_semantics<arbitrary>], iteration_bounds = array<i64: 5>, scalar_prefetch = 0 : i64, scratch_operands = 0 : i64, tpu.core_type = #tpu.core_type<tc>, window_params = [{transform_indices = @transform_0, window_bounds = array<i64: 2048, 256>}, {pipeline_mode = #tpu.pipeline_mode<synchronous>, transform_indices = @transform_1, window_bounds = array<i64: 256, 256>}, {pipeline_mode = #tpu.pipeline_mode<synchronous>, transform_indices = @transform_2, window_bounds = array<i64: 2, 128>}, {transform_indices = @transform_3, window_bounds = array<i64: 2, 2048>}, {transform_indices = @transform_4, window_bounds = array<i64: 2, 2048, 128>}, {transform_indices = @transform_5, window_bounds = array<i64: 2048, 1>}]} {
    %get3A = arith.constant 0 : index
    %get3A_0 = arith.constant 0 : index
    %get3A_1 = vector.load %arg4[%get3A, %get3A_0] : memref<2x2048xf32, #tpu.memory_space<vmem>>, vector<2x2048xf32>
    %reduce_sum3A = arith.constant dense<0.000000e+00> : vector<2048xf32>
    %reduce_sum3A_2 = vector.multi_reduction <add>, %get3A_1, %reduce_sum3A [0] : vector<2x2048xf32> to vector<2048xf32>
    %max3A = arith.constant 1.000000e+00 : f32
    %max3A_3 = vector.broadcast %max3A : f32 to vector<2048xf32>
    %max3A_4 = arith.maximumf %reduce_sum3A_2, %max3A_3 : vector<2048xf32>
    %rsqrt3A = math.rsqrt %max3A_4 : vector<2048xf32>
    %get3A_5 = arith.constant 0 : index
    %get3A_6 = arith.constant 0 : index
    %get3A_7 = vector.load %arg1[%get3A_5, %get3A_6] : memref<2048x256xf32, #tpu.memory_space<vmem>>, vector<2048x256xf32>
    %get3A_8 = arith.constant 0 : index
    %get3A_9 = arith.constant 0 : index
    %get3A_10 = vector.load %arg2[%get3A_8, %get3A_9] : memref<256x256xf32, #tpu.memory_space<vmem>>, vector<256x256xf32>
    %dot_general3A = arith.constant dense<0.000000e+00> : vector<2048x256xf32>
    %dot_general3A_11 = tpu.matmul %get3A_7, %get3A_10, %dot_general3A {dimension_numbers = #tpu.dot_dimension_numbers<[1], [1], [0], [0], [0, 0, 1, 0], [], []>, transpose_lhs_hint = false} : vector<2048x256xf32>, vector<256x256xf32>, vector<2048x256xf32> -> vector<2048x256xf32>
    %get3A_12 = arith.constant 0 : index
    %get3A_13 = arith.constant 0 : index
    %get3A_14 = vector.load %arg3[%get3A_12, %get3A_13] : memref<2x128xf32, #tpu.memory_space<vmem>>, vector<2x128xf32>
    %reshape3A = vector.shape_cast %get3A_14 : vector<2x128xf32> to vector<1x256xf32>
    %add3A = vector.broadcast %reshape3A : vector<1x256xf32> to vector<2048x256xf32>
    %add3A_15 = arith.addf %dot_general3A_11, %add3A : vector<2048x256xf32>
    %broadcast_in_dim3A = vector.shape_cast %rsqrt3A : vector<2048xf32> to vector<2048x1xf32>
    %mul3A = vector.broadcast %broadcast_in_dim3A : vector<2048x1xf32> to vector<2048x256xf32>
    %mul3A_16 = arith.mulf %add3A_15, %mul3A : vector<2048x256xf32>
    %slice3A = vector.extract_strided_slice %mul3A_16 {offsets = [0, 0], sizes = [2048, 128], strides = [1, 1]} : vector<2048x256xf32> to vector<2048x128xf32>
    %swap3A = arith.constant 0 : index
    %swap3A_17 = arith.constant 0 : index
    %swap3A_18 = arith.constant 0 : index
    %swap3A_19 = vector.load %arg5[%swap3A, %swap3A_17, %swap3A_18] : memref<2x2048x128xf32, #tpu.memory_space<vmem>>, vector<1x2048x128xf32>
    %swap3A_20 = vector.shape_cast %swap3A_19 : vector<1x2048x128xf32> to vector<2048x128xf32>
    %swap3A_21 = vector.shape_cast %slice3A : vector<2048x128xf32> to vector<1x2048x128xf32>
    tpu.vector_store %arg5[%swap3A, %swap3A_17, %swap3A_18], %swap3A_21 {strides = array<i32>} : memref<2x2048x128xf32, #tpu.memory_space<vmem>>, vector<1x2048x128xf32>,
    %slice3A_22 = vector.extract_strided_slice %mul3A_16 {offsets = [0, 128], sizes = [2048, 128], strides = [1, 1]} : vector<2048x256xf32> to vector<2048x128xf32>
    %swap3A_23 = arith.constant 1 : index
    %swap3A_24 = arith.constant 0 : index
    %swap3A_25 = arith.constant 0 : index
    %swap3A_26 = vector.load %arg5[%swap3A_23, %swap3A_24, %swap3A_25] : memref<2x2048x128xf32, #tpu.memory_space<vmem>>, vector<1x2048x128xf32>
    %swap3A_27 = vector.shape_cast %swap3A_26 : vector<1x2048x128xf32> to vector<2048x128xf32>
    %swap3A_28 = vector.shape_cast %slice3A_22 : vector<2048x128xf32> to vector<1x2048x128xf32>
    tpu.vector_store %arg5[%swap3A_23, %swap3A_24, %swap3A_25], %swap3A_28 {strides = array<i32>} : memref<2x2048x128xf32, #tpu.memory_space<vmem>>, vector<1x2048x128xf32>,
    %broadcast_in_dim3A_29 = vector.shape_cast %rsqrt3A : vector<2048xf32> to vector<2048x1xf32>
    %swap3A_30 = arith.constant 0 : index
    %swap3A_31 = arith.constant 0 : index
    %swap3A_32 = vector.load %arg6[%swap3A_30, %swap3A_31] : memref<2048x1xf32, #tpu.memory_space<vmem>>, vector<2048x1xf32>
    tpu.vector_store %arg6[%swap3A_30, %swap3A_31], %broadcast_in_dim3A_29 {strides = array<i32>} : memref<2048x1xf32, #tpu.memory_space<vmem>>, vector<2048x1xf32>,
    return
  }
  func.func @transform_0(%arg0: i32) -> (i32, i32) {
    %c0_i32 = arith.constant 0 : i32
    %c0_i32_0 = arith.constant 0 : i32
    return %arg0, %c0_i32 : i32, i32
  }
  func.func @transform_1(%arg0: i32) -> (i32, i32) {
    %c0_i32 = arith.constant 0 : i32
    %c0_i32_0 = arith.constant 0 : i32
    %c0_i32_1 = arith.constant 0 : i32
    return %c0_i32, %c0_i32_0 : i32, i32
  }
  func.func @transform_2(%arg0: i32) -> (i32, i32) {
    %c0_i32 = arith.constant 0 : i32
    %c0_i32_0 = arith.constant 0 : i32
    %c0_i32_1 = arith.constant 0 : i32
    return %c0_i32, %c0_i32_0 : i32, i32
  }
  func.func @transform_3(%arg0: i32) -> (i32, i32) {
    %c0_i32 = arith.constant 0 : i32
    %c0_i32_0 = arith.constant 0 : i32
    return %c0_i32, %arg0 : i32, i32
  }
  func.func @transform_4(%arg0: i32) -> (i32, i32, i32) {
    %c0_i32 = arith.constant 0 : i32
    %c0_i32_0 = arith.constant 0 : i32
    %c0_i32_1 = arith.constant 0 : i32
    return %c0_i32, %arg0, %c0_i32_0 : i32, i32, i32
  }
  func.func @transform_5(%arg0: i32) -> (i32, i32) {
    %c0_i32 = arith.constant 0 : i32
    %c0_i32_0 = arith.constant 0 : i32
    return %arg0, %c0_i32 : i32, i32
  }
}

module attributes {stable_mosaic.version = 14 : i64} {
  func.func @_k4_body(%arg0: i32, %arg1: memref<2x2000x128xf32, #tpu.memory_space<vmem>>, %arg2: memref<2000x1xf32, #tpu.memory_space<vmem>>, %arg3: memref<2000x256xf32, #tpu.memory_space<vmem>>, %arg4: memref<2000x256xf32, #tpu.memory_space<vmem>>) attributes {dimension_semantics = [#tpu.dimension_semantics<arbitrary>], iteration_bounds = array<i64: 5>, scalar_prefetch = 0 : i64, scratch_operands = 0 : i64, tpu.core_type = #tpu.core_type<tc>, window_params = [{transform_indices = @transform_0, window_bounds = array<i64: 2, 2000, 128>}, {transform_indices = @transform_1, window_bounds = array<i64: 2000, 1>}, {transform_indices = @transform_2, window_bounds = array<i64: 2000, 256>}, {transform_indices = @transform_3, window_bounds = array<i64: 2000, 256>}]} {
    %get3A = arith.constant 0 : index
    %get3A_0 = arith.constant 0 : index
    %get3A_1 = arith.constant 0 : index
    %get3A_2 = vector.load %arg1[%get3A, %get3A_0, %get3A_1] : memref<2x2000x128xf32, #tpu.memory_space<vmem>>, vector<1x2000x128xf32>
    %get3A_3 = vector.shape_cast %get3A_2 : vector<1x2000x128xf32> to vector<2000x128xf32>
    %get3A_4 = arith.constant 1 : index
    %get3A_5 = arith.constant 0 : index
    %get3A_6 = arith.constant 0 : index
    %get3A_7 = vector.load %arg1[%get3A_4, %get3A_5, %get3A_6] : memref<2x2000x128xf32, #tpu.memory_space<vmem>>, vector<1x2000x128xf32>
    %get3A_8 = vector.shape_cast %get3A_7 : vector<1x2000x128xf32> to vector<2000x128xf32>
    %concatenate3A = tpu.concatenate %get3A_3, %get3A_8 in 1 : vector<2000x128xf32>, vector<2000x128xf32> -> vector<2000x256xf32>
    %get3A_9 = arith.constant 0 : index
    %get3A_10 = arith.constant 0 : index
    %get3A_11 = vector.load %arg2[%get3A_9, %get3A_10] : memref<2000x1xf32, #tpu.memory_space<vmem>>, vector<2000x1xf32>
    %mul3A = vector.broadcast %get3A_11 : vector<2000x1xf32> to vector<2000x256xf32>
    %mul3A_12 = arith.mulf %concatenate3A, %mul3A : vector<2000x256xf32>
    %max3A = arith.constant 0.000000e+00 : f32
    %max3A_13 = vector.broadcast %max3A : f32 to vector<2000x256xf32>
    %max3A_14 = arith.maximumf %mul3A_12, %max3A_13 : vector<2000x256xf32>
    %get3A_15 = arith.constant 0 : index
    %get3A_16 = arith.constant 0 : index
    %get3A_17 = vector.load %arg3[%get3A_15, %get3A_16] : memref<2000x256xf32, #tpu.memory_space<vmem>>, vector<2000x256xf32>
    %add3A = arith.addf %max3A_14, %get3A_17 : vector<2000x256xf32>
    %swap3A = arith.constant 0 : index
    %swap3A_18 = arith.constant 0 : index
    %swap3A_19 = vector.load %arg4[%swap3A, %swap3A_18] : memref<2000x256xf32, #tpu.memory_space<vmem>>, vector<2000x256xf32>
    tpu.vector_store %arg4[%swap3A, %swap3A_18], %add3A {strides = array<i32>} : memref<2000x256xf32, #tpu.memory_space<vmem>>, vector<2000x256xf32>,
    return
  }
  func.func @transform_0(%arg0: i32) -> (i32, i32, i32) {
    %c0_i32 = arith.constant 0 : i32
    %c0_i32_0 = arith.constant 0 : i32
    %c0_i32_1 = arith.constant 0 : i32
    return %c0_i32, %arg0, %c0_i32_0 : i32, i32, i32
  }
  func.func @transform_1(%arg0: i32) -> (i32, i32) {
    %c0_i32 = arith.constant 0 : i32
    %c0_i32_0 = arith.constant 0 : i32
    return %arg0, %c0_i32 : i32, i32
  }
  func.func @transform_2(%arg0: i32) -> (i32, i32) {
    %c0_i32 = arith.constant 0 : i32
    %c0_i32_0 = arith.constant 0 : i32
    return %arg0, %c0_i32 : i32, i32
  }
  func.func @transform_3(%arg0: i32) -> (i32, i32) {
    %c0_i32 = arith.constant 0 : i32
    %c0_i32_0 = arith.constant 0 : i32
    return %arg0, %c0_i32 : i32, i32
  }
}

</mosaic_0001>

<sc_bundles>
// kernel: kernel.6.cloned.1.call-start
scs
__scs_entry_jumppad:
0x0: {  	(pc) =	sbr.rel $0x88, $3  }
0x1: {  	(tag) =	ssettag $0x0;
	lr =	simm.s32 $0x1  }
0x2: {  	[smem:$0x3F9D] =	sst lr;
	_ =	strace $0xD0000000  }
0x3: {  	_ = 	snop  }
0x4: {  	_ = 	snop  }
0x5: {  	_ = 	snop  }
0x6: {  	_ = 	snop  }
0x7: {  	_ = 	snop  }
__scs_overlays_trampoline_lowered:
0x8: {  	[smem:$0x3FAC] =	sst s0  }
0x9: {  	[smem:$0x3FAD] =	sst s1  }
0xa: {  	[smem:$0x3FAE] =	sst s2  }
0xb: {  	[smem:$0x3FAF] =	sst s3  }
0xc: {  	[smem:$0x3FB0] =	sst s4  }
0xd: {  	[smem:$0x3FB1] =	sst s5  }
0xe: {  	[smem:$0x3FB2] =	sst s6  }
0xf: {  	[smem:$0x3FB3] =	sst s7  }
0x10: {  	[smem:$0x3FB4] =	sst s8  }
0x11: {  	[smem:$0x3FB5] =	sst s9;
	s0 =	simm.s32 @!p0 $0x0  }
0x12: {  	s1 =	sld [smem:$0x3F9B];
	s0 =	simm.s32 @p0 $0x1  }
0x13: {  	[smem:$0x3FB6] =	sst s0;
	s0 =	simm.s32 @!p1 $0x0  }
0x14: {  	s2 =	sld [smem:$0x3F9A];
	s0 =	simm.s32 @p1 $0x1  }
0x15: {  	[smem:$0x3FB7] =	sst s0;
	s0 =	simm.s32 @!p2 $0x0  }
0x16: {  	s3 =	sld [smem:$0x3FDB];
	s0 =	simm.s32 @p2 $0x1  }
0x17: {  	s4 =	simm.s32 $0x1BF5;
	[smem:$0x3FB9] =	sst s0  }
0x18: {  	s0 =	sld [smem:$0x3F9C];
	_ =	swait.ge [sflag:s4], $0x0  }
0x19: {  	s7 =	sld [smem:$0x3F9D]  }
0x1a: {  	s8 =	sadd.s32 $0xFFFFE003, lr  }
0x1b: {  	s9 =	sadd.s32 $0xFFFFFEF7, lr;
	s5 =	simm.s32 $0xFFFFFFFF;
	p2 =	slt.u32 s8, $0xFFFFF086  }
0x1c: {  	p1 =	slt.u32 s9, $0xF7A;
	s5 =	simm.s32 @!p2 $0x0  }
0x1d: {  	s5 =	simm.s32 @p1 $0x1;
	p0 =	seq.s32 s7, s2  }
0x1e: {  	s7 =	smul.u32 @!p0 $0xF7A, s2;
	p2 =	seq.s32 @!p0 s5, $0x0  }
0x1f: {  	s9 =	smul.u32 $0xF7A, s1;
	s8 =	simm.s32 @!p0 $0x1BF5;
	p2 =	por !p2, p0  }
0x20: {  	[sflag:s8] =	ssyncset.s32 @!p0 $0xFFFFF086;
	s6 =	sadd.s32 @!p0 s3, s7;
	s7 =	simm.s32 @!p0 $0x108  }
0x21: {  	s3 =	sadd.s32 s3, s9;
	s6 =	sadd.s32 @!p0 $0x88, s6;
	s7 =	simm.s32 @p2 $0x1082  }
0x22: {  	[simem:s7], [sflag:s8] =	dma.local @!p0 [hbm:s6], $0xF7A  }
0x23: {  	s9 =	sor.u32 $0xD0000000, s2;
	s6 =	simm.s32 $0x108;
	_ =	swait.ge @!p0 [sflag:s8], $0x0  }
0x24: {  	s3 =	sadd.s32 $0x88, s3;
	s6 =	simm.s32 @!p1 $0x1082;
	[sflag:s4] =	ssyncset.s32 $0xFFFFF086  }
0x25: {  	[simem:s6], [sflag:s4] =	dma.local [hbm:s3], $0xF7A  }
0x26: {  	[smem:$0x3F9D] =	sst s1;
	(tag) =	ssettag s2;
	_ =	strace s9  }
0x27: {  	s1 =	sld [smem:$0x3FAD]  }
0x28: {  	s2 =	sld [smem:$0x3FAE]  }
0x29: {  	s4 =	sld [smem:$0x3FB0]  }
0x2a: {  	p0 =	seq.s32 s5, $0x0;
	s5 =	sld [smem:$0x3FB1]  }
0x2b: {  	s6 =	sld [smem:$0x3FB2]  }
0x2c: {  	s7 =	sld [smem:$0x3FB3]  }
0x2d: {  	s3 =	simm.s32 $0x108;
	s8 =	sld [smem:$0x3FB4]  }
0x2e: {  	s3 =	simm.s32 @!p0 $0x1082;
	s9 =	sld [smem:$0x3FB5]  }
0x2f: {  	lr =	sadd.s32 s0, s3;
	s0 =	sld [smem:$0x3FAC]  }
0x30: {  	s3 =	sld [smem:$0x3FAF]  }
0x31: {  	[smem:$0x3FB8] =	sst s10  }
0x32: {  	s10 =	sld [smem:$0x3FB6];
	_ =	sdelay $0x3  }
0x33: {  	p0 =	seq.s32 s10, $0x1;
	s10 =	sld [smem:$0x3FB8];
	_ =	sdelay $0x3  }
0x34: {  	[smem:$0x3FB8] =	sst s10  }
0x35: {  	s10 =	sld [smem:$0x3FB7];
	_ =	sdelay $0x3  }
0x36: {  	p1 =	seq.s32 s10, $0x1;
	s10 =	sld [smem:$0x3FB8];
	_ =	sdelay $0x3  }
0x37: {  	[smem:$0x3FB8] =	sst s10  }
0x38: {  	s10 =	sld [smem:$0x3FB9]  }
0x39: {  	_ = 	snop;
	(pc) =	sbr.ind lr, $3  }
0x3a: {  	_ = 	snop  }
0x3b: {  	_ = 	snop  }
0x3c: {  	p2 =	seq.s32 s10, $0x1;
	s10 =	sld [smem:$0x3FB8]  }
0x3d: {  	_ =	shalt  }
0x3e: {  	_ =	shalt  }
0x3f: {  	_ =	shalt  }
0x40: {  	_ =	shalt  }
0x41: {  	_ =	shalt  }
0x42: {  	_ =	shalt  }
0x43: {  	_ =	shalt  }
0x44: {  	_ =	shalt  }
0x45: {  	_ =	shalt  }
0x46: {  	_ =	shalt  }
0x47: {  	_ =	shalt  }
0x48: {  	_ =	shalt  }
0x49: {  	_ =	shalt  }
0x4a: {  	_ =	shalt  }
0x4b: {  	_ =	shalt  }
0x4c: {  	_ =	shalt  }
0x4d: {  	_ =	shalt  }
0x4e: {  	_ =	shalt  }
0x4f: {  	_ =	shalt  }
0x50: {  	_ =	shalt  }
0x51: {  	_ =	shalt  }
0x52: {  	_ =	shalt  }
0x53: {  	_ =	shalt  }
0x54: {  	_ =	shalt  }
0x55: {  	_ =	shalt  }
0x56: {  	_ =	shalt  }
0x57: {  	_ =	shalt  }
0x58: {  	_ =	shalt  }
0x59: {  	_ =	shalt  }
0x5a: {  	_ =	shalt  }
0x5b: {  	_ =	shalt  }
0x5c: {  	_ =	shalt  }
0x5d: {  	_ =	shalt  }
0x5e: {  	_ =	shalt  }
0x5f: {  	_ =	shalt  }
0x60: {  	_ =	shalt  }
0x61: {  	_ =	shalt  }
0x62: {  	_ =	shalt  }
0x63: {  	_ =	shalt  }
0x64: {  	_ =	shalt  }
0x65: {  	_ =	shalt  }
0x66: {  	_ =	shalt  }
0x67: {  	_ =	shalt  }
0x68: {  	_ =	shalt  }
0x69: {  	_ =	shalt  }
0x6a: {  	_ =	shalt  }
0x6b: {  	_ =	shalt  }
0x6c: {  	_ =	shalt  }
0x6d: {  	_ =	shalt  }
0x6e: {  	_ =	shalt  }
0x6f: {  	_ =	shalt  }
0x70: {  	_ =	shalt  }
0x71: {  	_ =	shalt  }
0x72: {  	_ =	shalt  }
0x73: {  	_ =	shalt  }
0x74: {  	_ =	shalt  }
0x75: {  	_ =	shalt  }
0x76: {  	_ =	shalt  }
0x77: {  	_ =	shalt  }
0x78: {  	_ =	shalt  }
0x79: {  	_ =	shalt  }
0x7a: {  	_ =	shalt  }
0x7b: {  	_ =	shalt  }
0x7c: {  	_ =	shalt  }
0x7d: {  	_ =	shalt  }
0x7e: {  	_ =	shalt  }
0x7f: {  	_ =	shalt  }
0x80: {  	_ =	shalt  }
0x81: {  	_ =	shalt  }
0x82: {  	_ =	shalt  }
0x83: {  	_ =	shalt  }
0x84: {  	_ =	shalt  }
0x85: {  	_ =	shalt  }
0x86: {  	_ =	shalt  }
0x87: {  	_ =	shalt  }
.Lfunc_end0:
.L_simem_size_0:
called_computation_lowered:
.L_overlay_start_0:
0x88: {  	s2 =	sld [smem:$0x3FD9]  }
0x89: {  	s3 =	sld [smem:$0x3FFE];
	_ =	sdelay $0x1  }
0x8a: {  	s1 =	srdreg.scid  }
0x8b: {  	s0 =	sand.u32 $0x1, s1  }
0x8c: {  	s16 =	sshll.u32 s0, $0xA;
	s2 =	sadd.s32 s3, s2  }
0x8d: {  	s2 =	sadd.s32 s2, s16  }
0x8e: {  	[smem:$0x3FC4] =	sst s2  }
0x8f: {  	_ = 	snop  }
0x90: {  	(tm) =	ssettm $0x1  }
0x91: {  	s17 =	sld [smem:$0x3FFB];
	_ =	sdelay $0x3  }
0x92: {  	_ =	strace s17  }
0x93: {  	s2 =	sld [smem:$0x3FFC];
	_ =	sdelay $0x3  }
0x94: {  	_ =	strace s2  }
0x95: {  	s2 =	sld [smem:$0x3FFD];
	_ =	sdelay $0x3  }
0x96: {  	_ =	strace s2  }
0x97: {  	_ =	strace $0x8FFFFFFF  }
0x98: {  	s18 =	sld [smem:$0x3FDB];
	_ =	sdelay $0x1  }
0x99: {  	s19 =	simm.s32 $_scs_section_size  }
0x9a: {  	s4 =	simm.s32 $_size__tile_overlayer_lowered;
	s5 =	simm.s32 $_tile_overlayer_lowered  }
0x9b: {  	s22 =	simm.s32 $0x1BFF;
	s21 =	sshll.u32 s5, $0x1;
	s2 =	sadd.s32 s19, s18  }
0x9c: {  	s6 =	simm.s32 $0x0;
	s20 =	sshll.u32 s4, $0x1;
	s4 =	sadd.s32 s21, s2  }
0x9d: {  	[timem:s6], [sflag:s22] =	dma.local [hbm:s4], s20  }
0x9e: {  	_ =	swait.ge [sflag:s22], s20  }
0x9f: {  	s3 =	ssub.s32 $0x0, s20;
	[sflag:s22] =	ssyncset.done $0x0  }
0xa0: {  	[sflag:s22] =	ssyncadd.s32 s3;
	_ =	sdelay $0x1  }
0xa1: {  	s23 =	simm.s32 $0x1B8B  }
0xa2: {  	_ =	swait.ge [sflag:s23], $0x1  }
0xa3: {  	[sflag:s23] =	ssyncset.done $0x0  }
0xa4: {  	s25 =	simm.s32 $0x1B8E;
	s24 =	sld [smem:$0x3FFE];
	[sflag:s23] =	ssyncadd.s32 $0xFFFFFFFF  }
0xa5: {  	s26 =	simm.s32 $execute0_lowered;
	[smem:$0x3FD2] =	sst s25  }
0xa6: {  	s4 =	sshll.u32 s26, $0x1;
	_ =	strace $0x80000046;
	[dreg:$0x1] =	wrdreg $0xFFFFFFFF  }
0xa7: {  	s28 =	simm.s32 $_size_execute0_lowered;
	s2 =	sadd.s32 s2, s4;
	[dreg:$0x0] =	wrdreg $0x0  }
0xa8: {  	s4 =	sshll.u32 s28, $0x1;
	[dreg:$0x2] =	wrdreg s2  }
0xa9: {  	[dreg:$0x3] =	wrdreg s4  }
0xaa: {  	[dreg:$0x4] =	wrdreg $0xC0  }
0xab: {  	_ =	task [dreg:s6], $0x5FFFF  }
0xac: {  	[dreg:$0x1] =	wrdreg $0xFFFFFFFF  }
0xad: {  	[dreg:$0x0] =	wrdreg $0x60  }
0xae: {  	[dreg:$0x2] =	wrdreg s24  }
0xaf: {  	[dreg:$0x3] =	wrdreg $0x1B000  }
0xb0: {  	[dreg:$0x4] =	wrdreg $0x9  }
0xb1: {  	_ =	task.clear_ibuf [dreg:s6], $0x5FFFF;
	_ =	strace $0x90000046  }
0xb2: {  	s29 =	simm.s32 $0x9;
	_ =	strace $0x80000048  }
0xb3: {  	_ =	swait.ge [sflag:s29], $0x1  }
0xb4: {  	[sflag:s29] =	ssyncadd.s32 $0xFFFFFFFF  }
0xb5: {  	_ =	strace $0x90000048  }
0xb6: {  	_ =	sfence  }
0xb7: {  	s30 =	sld [smem:$0x0];
	_ =	sdelay $0x2  }
0xb8: {  	s31 =	sshll.u32 s1, $0xD;
	s1 =	sshrl.u32 s1, $0x2  }
0xb9: {  	s3 =	sand.u32 $0x4000, s31;
	s1 =	sadd.s32 s1, s30  }
0xba: {  	s0 =	sor.u32 s3, s0;
	s1 =	sshll.u32 s1, $0x11  }
0xbb: {  	s0 =	sor.u32 s1, s0  }
0xbc: {  	s0 =	sadd.s32 $0x8F2B, s0  }
0xbd: {  	[sflag:s0] =	ssyncadd.remote.s32 $0x1  }
0xbe: {  	_ =	sfence.sel $0xFFFF  }
0xbf: {  	[dreg:$0x0] =	wrdreg $0xFFFFFFFF;
	(pc) =	sbr.abs _section_cstart, $3  }
0xc0: {  	[dreg:$0x1] =	wrdreg $0xFFFFFFFF  }
0xc1: {  	_ =	task.clear_ibuf [dreg:s6], $0x2FFFF;
	_ =	strace $0x9FFFFFFF  }
0xc2: {  	(tm) =	ssettm $0x7FFFFFFF  }
0xc3: {  	_ =	shalt  }
tec
execute0_lowered:
.L_overlay_start_1:
0x0: {  	(tag) =	ssettag $0x1  }
0x1: {  	s5 =	rddreg [dreg:$0x0]  }
0x2: {  	s0 =	srdreg.scid;
	s2 =	rddreg [dreg:$0x1]  }
0x3: {  	s1 =	stileid.u32;
	s3 =	simm.s32 $0x0;
	s12 =	simm.s32 $0x80  }
0x4: {  	s13 =	simm.s32 $0x1400;
	s14 =	simm.s32 $0x1;
	s15 =	simm.s32 $0x2  }
0x5: {  	s16 =	simm.s32 $0x1480;
	s6 =	sand.u32 $0x1, s0;
	s0 =	rddreg [dreg:$0x2]  }
0x6: {  	s17 =	simm.s32 $0x1700;
	s18 =	simm.s32 $0x0;
	[smem:$0x7FF] =	sst s3  }
0x7: {  	s9 =	smul.u32 $0xA00, s1;
	s10 =	sshll.u32 s1, $0x6;
	s4 =	sshll.u32 s6, $0x4  }
0x8: {  	_ =	strace $0x80000047;
	s31 =	ssub.s32 $0x2, s6;
	s4 =	sor.u32 s1, s4  }
0x9: {  	s6 =	sshrl.u32 s31, $0x1;
	s9 =	sshrl.u32 s9, $0x2;
	s7 =	smul.u32 $0x280, s4  }
0xa: {  	s8 =	sshll.u32 s4, $0x7;
	s4 =	sadd.s32 $0x6400, s5;
	s11 =	ssub.s32 s31, s6  }
0xb: {  	s6 =	sor.u32 $0x1C03, s10;
	s8 =	sadd.s32 s8, s5;
	s7 =	sadd.s32 s7, s5  }
0xc: {  	s5 =	sadd.s32 s9, s2;
	s8 =	sadd.s32 $0x6600, s8;
	s9 =	smax.u32 s11, $0x1  }
0xd: {  	v0 =	vimm.f32 $1.000000000e+00;
	s11 =	simm.s32 $0x3;
	s7 =	sadd.s32 $0x1400, s7;
	s10 =	sshrl.u32 s5, $0x3  }
.LBB2_1:
0xe: {  	[tilespmem:$0x1400] =	vst v0  }
0xf: {  	[tilespmem:$0x1410] =	vst v0  }
0x10: {  	[tilespmem:$0x1420] =	vst v0  }
0x11: {  	[tilespmem:$0x1430] =	vst v0  }
0x12: {  	[tilespmem:$0x1440] =	vst v0  }
0x13: {  	[tilespmem:$0x1450] =	vst v0  }
0x14: {  	[tilespmem:$0x1460] =	vst v0  }
0x15: {  	[tilespmem:$0x1470] =	vst v0  }
0x16: {  	[spmem:s10], [sflag:s6] =	dma.local [hbm:s4], $0x50  }
0x17: {  	_ =	swait.ge [sflag:s11], $0x50  }
0x18: {  	[sflag:s11] =	ssyncset.done $0x0  }
0x19: {  	[sflag:s11] =	ssyncadd.s32 $0xFFFFFFB0  }
0x1a: {  	[tilespmem:s3], [sflag:$0x3] =	stream.linear.gather [hbm4b:s7+s3], $0x1400, $0x38;
	[tilespmem:$0x1D80] =	vst v63  }
0x1b: {  	_ =	swait.ge [sflag:s11], $0x1400  }
0x1c: {  	[sflag:s11] =	ssyncset.done $0x0  }
0x1d: {  	[sflag:s11] =	ssyncadd.s32 $0xFFFFEC00  }
0x1e: {  	[bflag:$0x0] =	sbarrier.arrive $0xFFFF  }
0x1f: {  	[spmem:s2] =	stream.indirect.scatter.add.f32 [tilespmem:s13], [sflag:$0x1], $0x1, s3, s12, $0xb8;
	[tilespmem:$0x1D80] =	vst v63  }
0x20: {  	_ = 	snop  }
0x21: {  	[spmem:s2] =	stream.indirect.scatter.add.f32 [tilespmem:s13], [sflag:$0x2], $0x1, s12, s12, $0xb8;
	[tilespmem:$0x1D80] =	vst v63  }
0x22: {  	_ =	swait.ge [sflag:s14], $0x80  }
0x23: {  	[sflag:s14] =	ssyncset.done $0x0  }
0x24: {  	[sflag:s14] =	ssyncadd.s32 $0xFFFFFF80  }
0x25: {  	_ =	swait.ge [sflag:s15], $0x80  }
0x26: {  	[sflag:s15] =	ssyncset.done $0x0  }
0x27: {  	s19 =	simm.s32 $0x100;
	[sflag:s15] =	ssyncadd.s32 $0xFFFFFF80  }
0x28: {  	[spmem:s2] =	stream.indirect.scatter.add.f32 [tilespmem:s13], [sflag:$0x1], $0x1, s19, s12, $0xb8;
	[tilespmem:$0x1D80] =	vst v63  }
0x29: {  	s20 =	simm.s32 $0x180;
	s19 =	simm.s32 $0xFFFFB800  }
.LBB2_2:
0x2a: {  	[spmem:s2] =	stream.indirect.scatter.add.f32 [tilespmem:s13], [sflag:$0x2], $0x1, s20, s12, $0xb8;
	[tilespmem:$0x1D80] =	vst v63  }
0x2b: {  	s20 =	smov.u32 s19  }
0x2c: {  	p0 =	sne.s32 s19, $0xFFFFFC00;
	s19 =	sadd.s32 $0x400, s19;
	_ =	swait.ge [sflag:s14], $0x80  }
0x2d: {  	[sflag:s14] =	ssyncset.done $0x0  }
0x2e: {  	[sflag:s14] =	ssyncadd.s32 $0xFFFFFF80  }
.Ltmp0:
0x2f: {  	_ =	swait.ge [sflag:s15], $0x80;
	(pc) =	sbr.rel @p0 .LBB2_2-.Ltmp0, $4  }
0x30: {  	s20 =	sshra.s32 s20, $0x2;
	[sflag:s15] =	ssyncset.done $0x0  }
0x31: {  	s21 =	sadd.s32 $0x1400, s20;
	[sflag:s15] =	ssyncadd.s32 $0xFFFFFF80  }
0x32: {  	[spmem:s2] =	stream.indirect.scatter.add.f32 [tilespmem:s13], [sflag:$0x1], $0x1, s21, s12, $0xb8;
	[tilespmem:$0x1D80] =	vst v63  }
0x33: {  	s20 =	sadd.s32 $0x1480, s20  }
0x34: {  	[spmem:s2] =	stream.indirect.scatter.add.f32 [tilespmem:s13], [sflag:$0x2], $0x1, s20, s12, $0xb8;
	[tilespmem:$0x1D80] =	vst v63  }
0x35: {  	_ =	swait.ge [sflag:s14], $0x80  }
0x36: {  	[sflag:s14] =	ssyncset.done $0x0  }
0x37: {  	[sflag:s14] =	ssyncadd.s32 $0xFFFFFF80  }
0x38: {  	_ =	swait.ge [sflag:s15], $0x80  }
0x39: {  	[sflag:s15] =	ssyncset.done $0x0  }
0x3a: {  	[sflag:s15] =	ssyncadd.s32 $0xFFFFFF80  }
0x3b: {  	[bflag:$0x0] =	sbarrier.arrive $0xFFFF  }
0x3c: {  	[tilespmem:s16], [sflag:$0x3] =	stream.linear.gather [spmem:s5], $0x280, $0x38;
	[tilespmem:$0x1D80] =	vst v63  }
0x3d: {  	_ =	swait.ge [sflag:s11], $0x280  }
0x3e: {  	[sflag:s11] =	ssyncset.done $0x0  }
0x3f: {  	s21 =	simm.s32 $0x0;
	[sflag:s11] =	ssyncadd.s32 $0xFFFFFD80  }
0x40: {  	s19 =	simm.s32 $0x0;
	v1 =	vld [tilespmem:s21+$0x1480]  }
0x41: {  	s31 =	sand.u32 $0xE00, s19  }
0x42: {  	s22 =	sand.u32 $0x70, s19;
	s20 =	sshrl.u32 s31, $0x2  }
0x43: {  	s19 =	simm.s32 $0x10;
	s21 =	sor.u32 s22, s20;
	s20 =	simm.s32 $0x40  }
.LBB2_4:
0x44: {  	s22 =	sshra.s32 s20, $0x2  }
0x45: {  	p0 =	sne.s32 s19, $0x270;
	[tilespmem:s21+$0x1700] =	vst v1;
	s21 =	smov.u32 s19;
	s19 =	sadd.s32 $0x10, s19  }
.Ltmp1:
0x46: {  	v1 =	vld [tilespmem:s22+$0x1480];
	(pc) =	sbr.rel @p0 .LBB2_4-.Ltmp1, $4  }
0x47: {  	_ = 	snop  }
0x48: {  	s22 =	sand.u32 $0xE00, s20  }
0x49: {  	s21 =	sand.u32 $0x70, s21;
	s22 =	sshrl.u32 s22, $0x2  }
0x4a: {  	s20 =	sadd.s32 $0x40, s20;
	s21 =	sor.u32 s21, s22  }
0x4b: {  	s18 =	sadd.s32 $0x1, s18  }
0x4c: {  	p0 =	sne.s32 s18, s9  }
.Ltmp2:
0x4d: {  	[tilespmem:s21+$0x1700] =	vst v1;
	(pc) =	sbr.rel @p0 .LBB2_1-.Ltmp2, $4  }
0x4e: {  	[hbm4b:s8+s3] =	stream.linear.scatter [tilespmem:s17], [sflag:$0x3], $0x280, $0x38;
	[tilespmem:$0x1D80] =	vst v63  }
0x4f: {  	_ =	swait.ge [sflag:s11], $0x280  }
0x50: {  	[sflag:s11] =	ssyncset.done $0x0  }
0x51: {  	[sflag:s11] =	ssyncadd.s32 $0xFFFFFD80  }
0x52: {  	_ =	sfence.sel $0x180000  }
0x53: {  	[bflag:$0x0] =	sbarrier.arrive $0xFFFF  }
0x54: {  	p0 =	sne.s32 s1, $0x0;
	_ =	strace $0x90000047  }
0x55: {  	s0 =	sadd.s32 @!p0 $0x100000, s0;
	[bflag:$0x2] =	sbarrier.arrive $0xFFFF  }
0x56: {  	[sflag:s0] =	ssyncadd.tile.s32 @!p0 $0x1;
	_ =	shalt  }
.Lfunc_end2:
_tile_overlayer_lowered:
.L_overlay_start_2:
0x57: {  	(tag) =	ssettag $0x2  }
0x58: {  	s0 =	rddreg [dreg:$0x0];
	s2 =	stileid.u32  }
0x59: {  	s1 =	rddreg [dreg:$0x1];
	p0 =	sne.s32 s2, $0x0  }
0x5a: {  	s3 =	rddreg [dreg:$0x2];
	[bflag:$0x3] =	sbarrier.arrive $0xFFFF;
	s2 =	simm.s32 @!p0 $0x1C03  }
0x5b: {  	[timem:s3], [sflag:s2] =	dma.local @!p0 [hbm:s0], s1  }
0x5c: {  	s0 =	simm.s32 @!p0 $0x3  }
0x5d: {  	_ =	swait.ge @!p0 [sflag:s0], s1  }
0x5e: {  	s1 =	ssub.s32 @!p0 $0x0, s1;
	[sflag:s0] =	ssyncset.done @!p0 $0x0  }
0x5f: {  	[sflag:s0] =	ssyncadd.s32 @!p0 s1  }
0x60: {  	[bflag:$0x3] =	sbarrier.arrive $0xFFFF  }
0x61: {  	_ =	shalt  }

// kernel: kernel.9.cloned.1.call-start
scs
__scs_entry_jumppad:
0x0: {  	(pc) =	sbr.rel $0x88, $3  }
0x1: {  	(tag) =	ssettag $0x0;
	lr =	simm.s32 $0x1  }
0x2: {  	[smem:$0x3F9D] =	sst lr;
	_ =	strace $0xD0000000  }
0x3: {  	_ = 	snop  }
0x4: {  	_ = 	snop  }
0x5: {  	_ = 	snop  }
0x6: {  	_ = 	snop  }
0x7: {  	_ = 	snop  }
__scs_overlays_trampoline_lowered:
0x8: {  	[smem:$0x3FAC] =	sst s0  }
0x9: {  	[smem:$0x3FAD] =	sst s1  }
0xa: {  	[smem:$0x3FAE] =	sst s2  }
0xb: {  	[smem:$0x3FAF] =	sst s3  }
0xc: {  	[smem:$0x3FB0] =	sst s4  }
0xd: {  	[smem:$0x3FB1] =	sst s5  }
0xe: {  	[smem:$0x3FB2] =	sst s6  }
0xf: {  	[smem:$0x3FB3] =	sst s7  }
0x10: {  	[smem:$0x3FB4] =	sst s8  }
0x11: {  	[smem:$0x3FB5] =	sst s9;
	s0 =	simm.s32 @!p0 $0x0  }
0x12: {  	s1 =	sld [smem:$0x3F9B];
	s0 =	simm.s32 @p0 $0x1  }
0x13: {  	[smem:$0x3FB6] =	sst s0;
	s0 =	simm.s32 @!p1 $0x0  }
0x14: {  	s2 =	sld [smem:$0x3F9A];
	s0 =	simm.s32 @p1 $0x1  }
0x15: {  	[smem:$0x3FB7] =	sst s0;
	s0 =	simm.s32 @!p2 $0x0  }
0x16: {  	s3 =	sld [smem:$0x3FDB];
	s0 =	simm.s32 @p2 $0x1  }
0x17: {  	s4 =	simm.s32 $0x1BF5;
	[smem:$0x3FB9] =	sst s0  }
0x18: {  	s0 =	sld [smem:$0x3F9C];
	_ =	swait.ge [sflag:s4], $0x0  }
0x19: {  	s7 =	sld [smem:$0x3F9D]  }
0x1a: {  	s8 =	sadd.s32 $0xFFFFE003, lr  }
0x1b: {  	s9 =	sadd.s32 $0xFFFFFEF7, lr;
	s5 =	simm.s32 $0xFFFFFFFF;
	p2 =	slt.u32 s8, $0xFFFFF086  }
0x1c: {  	p1 =	slt.u32 s9, $0xF7A;
	s5 =	simm.s32 @!p2 $0x0  }
0x1d: {  	s5 =	simm.s32 @p1 $0x1;
	p0 =	seq.s32 s7, s2  }
0x1e: {  	s7 =	smul.u32 @!p0 $0xF7A, s2;
	p2 =	seq.s32 @!p0 s5, $0x0  }
0x1f: {  	s9 =	smul.u32 $0xF7A, s1;
	s8 =	simm.s32 @!p0 $0x1BF5;
	p2 =	por !p2, p0  }
0x20: {  	[sflag:s8] =	ssyncset.s32 @!p0 $0xFFFFF086;
	s6 =	sadd.s32 @!p0 s3, s7;
	s7 =	simm.s32 @!p0 $0x108  }
0x21: {  	s3 =	sadd.s32 s3, s9;
	s6 =	sadd.s32 @!p0 $0x88, s6;
	s7 =	simm.s32 @p2 $0x1082  }
0x22: {  	[simem:s7], [sflag:s8] =	dma.local @!p0 [hbm:s6], $0xF7A  }
0x23: {  	s9 =	sor.u32 $0xD0000000, s2;
	s6 =	simm.s32 $0x108;
	_ =	swait.ge @!p0 [sflag:s8], $0x0  }
0x24: {  	s3 =	sadd.s32 $0x88, s3;
	s6 =	simm.s32 @!p1 $0x1082;
	[sflag:s4] =	ssyncset.s32 $0xFFFFF086  }
0x25: {  	[simem:s6], [sflag:s4] =	dma.local [hbm:s3], $0xF7A  }
0x26: {  	[smem:$0x3F9D] =	sst s1;
	(tag) =	ssettag s2;
	_ =	strace s9  }
0x27: {  	s1 =	sld [smem:$0x3FAD]  }
0x28: {  	s2 =	sld [smem:$0x3FAE]  }
0x29: {  	s4 =	sld [smem:$0x3FB0]  }
0x2a: {  	p0 =	seq.s32 s5, $0x0;
	s5 =	sld [smem:$0x3FB1]  }
0x2b: {  	s6 =	sld [smem:$0x3FB2]  }
0x2c: {  	s7 =	sld [smem:$0x3FB3]  }
0x2d: {  	s3 =	simm.s32 $0x108;
	s8 =	sld [smem:$0x3FB4]  }
0x2e: {  	s3 =	simm.s32 @!p0 $0x1082;
	s9 =	sld [smem:$0x3FB5]  }
0x2f: {  	lr =	sadd.s32 s0, s3;
	s0 =	sld [smem:$0x3FAC]  }
0x30: {  	s3 =	sld [smem:$0x3FAF]  }
0x31: {  	[smem:$0x3FB8] =	sst s10  }
0x32: {  	s10 =	sld [smem:$0x3FB6];
	_ =	sdelay $0x3  }
0x33: {  	p0 =	seq.s32 s10, $0x1;
	s10 =	sld [smem:$0x3FB8];
	_ =	sdelay $0x3  }
0x34: {  	[smem:$0x3FB8] =	sst s10  }
0x35: {  	s10 =	sld [smem:$0x3FB7];
	_ =	sdelay $0x3  }
0x36: {  	p1 =	seq.s32 s10, $0x1;
	s10 =	sld [smem:$0x3FB8];
	_ =	sdelay $0x3  }
0x37: {  	[smem:$0x3FB8] =	sst s10  }
0x38: {  	s10 =	sld [smem:$0x3FB9]  }
0x39: {  	_ = 	snop;
	(pc) =	sbr.ind lr, $3  }
0x3a: {  	_ = 	snop  }
0x3b: {  	_ = 	snop  }
0x3c: {  	p2 =	seq.s32 s10, $0x1;
	s10 =	sld [smem:$0x3FB8]  }
0x3d: {  	_ =	shalt  }
0x3e: {  	_ =	shalt  }
0x3f: {  	_ =	shalt  }
0x40: {  	_ =	shalt  }
0x41: {  	_ =	shalt  }
0x42: {  	_ =	shalt  }
0x43: {  	_ =	shalt  }
0x44: {  	_ =	shalt  }
0x45: {  	_ =	shalt  }
0x46: {  	_ =	shalt  }
0x47: {  	_ =	shalt  }
0x48: {  	_ =	shalt  }
0x49: {  	_ =	shalt  }
0x4a: {  	_ =	shalt  }
0x4b: {  	_ =	shalt  }
0x4c: {  	_ =	shalt  }
0x4d: {  	_ =	shalt  }
0x4e: {  	_ =	shalt  }
0x4f: {  	_ =	shalt  }
0x50: {  	_ =	shalt  }
0x51: {  	_ =	shalt  }
0x52: {  	_ =	shalt  }
0x53: {  	_ =	shalt  }
0x54: {  	_ =	shalt  }
0x55: {  	_ =	shalt  }
0x56: {  	_ =	shalt  }
0x57: {  	_ =	shalt  }
0x58: {  	_ =	shalt  }
0x59: {  	_ =	shalt  }
0x5a: {  	_ =	shalt  }
0x5b: {  	_ =	shalt  }
0x5c: {  	_ =	shalt  }
0x5d: {  	_ =	shalt  }
0x5e: {  	_ =	shalt  }
0x5f: {  	_ =	shalt  }
0x60: {  	_ =	shalt  }
0x61: {  	_ =	shalt  }
0x62: {  	_ =	shalt  }
0x63: {  	_ =	shalt  }
0x64: {  	_ =	shalt  }
0x65: {  	_ =	shalt  }
0x66: {  	_ =	shalt  }
0x67: {  	_ =	shalt  }
0x68: {  	_ =	shalt  }
0x69: {  	_ =	shalt  }
0x6a: {  	_ =	shalt  }
0x6b: {  	_ =	shalt  }
0x6c: {  	_ =	shalt  }
0x6d: {  	_ =	shalt  }
0x6e: {  	_ =	shalt  }
0x6f: {  	_ =	shalt  }
0x70: {  	_ =	shalt  }
0x71: {  	_ =	shalt  }
0x72: {  	_ =	shalt  }
0x73: {  	_ =	shalt  }
0x74: {  	_ =	shalt  }
0x75: {  	_ =	shalt  }
0x76: {  	_ =	shalt  }
0x77: {  	_ =	shalt  }
0x78: {  	_ =	shalt  }
0x79: {  	_ =	shalt  }
0x7a: {  	_ =	shalt  }
0x7b: {  	_ =	shalt  }
0x7c: {  	_ =	shalt  }
0x7d: {  	_ =	shalt  }
0x7e: {  	_ =	shalt  }
0x7f: {  	_ =	shalt  }
0x80: {  	_ =	shalt  }
0x81: {  	_ =	shalt  }
0x82: {  	_ =	shalt  }
0x83: {  	_ =	shalt  }
0x84: {  	_ =	shalt  }
0x85: {  	_ =	shalt  }
0x86: {  	_ =	shalt  }
0x87: {  	_ =	shalt  }
.Lfunc_end0:
.L_simem_size_0:
called_computation.1_lowered:
.L_overlay_start_0:
0x88: {  	s2 =	sld [smem:$0x3FD9]  }
0x89: {  	s3 =	sld [smem:$0x3FFE];
	_ =	sdelay $0x1  }
0x8a: {  	s1 =	srdreg.scid  }
0x8b: {  	s0 =	sand.u32 $0x1, s1  }
0x8c: {  	s17 =	sshll.u32 s0, $0xA;
	s2 =	sadd.s32 s3, s2  }
0x8d: {  	s2 =	sadd.s32 s2, s17  }
0x8e: {  	[smem:$0x3FC4] =	sst s2  }
0x8f: {  	_ = 	snop  }
0x90: {  	s2 =	sld [smem:$0x3FD0];
	(tm) =	ssettm $0x1  }
0x91: {  	s18 =	sld [smem:$0x3FFB];
	_ =	sdelay $0x3  }
0x92: {  	_ =	strace s18  }
0x93: {  	s3 =	sld [smem:$0x3FFC];
	_ =	sdelay $0x3  }
0x94: {  	_ =	strace s3  }
0x95: {  	s3 =	sld [smem:$0x3FFD];
	_ =	sdelay $0x3  }
0x96: {  	_ =	strace s3  }
0x97: {  	_ =	strace $0x8FFFFFFF  }
0x98: {  	s19 =	sld [smem:$0x3FDB];
	_ =	sdelay $0x1  }
0x99: {  	s4 =	simm.s32 $_scs_section_size  }
0x9a: {  	s5 =	simm.s32 $_size__tile_overlayer_lowered;
	s6 =	simm.s32 $_tile_overlayer_lowered  }
0x9b: {  	s22 =	simm.s32 $0x1BFF;
	s21 =	sshll.u32 s6, $0x1;
	s3 =	sadd.s32 s4, s19  }
0x9c: {  	s7 =	simm.s32 $0x0;
	s20 =	sshll.u32 s5, $0x1;
	s5 =	sadd.s32 s21, s3  }
0x9d: {  	[timem:s7], [sflag:s22] =	dma.local [hbm:s5], s20  }
0x9e: {  	_ =	swait.ge [sflag:s22], s20  }
0x9f: {  	s4 =	ssub.s32 $0x0, s20;
	[sflag:s22] =	ssyncset.done $0x0  }
0xa0: {  	[sflag:s22] =	ssyncadd.s32 s4;
	_ =	sdelay $0x1  }
0xa1: {  	s23 =	simm.s32 $0x1B8B  }
0xa2: {  	_ =	swait.ge [sflag:s23], $0x1  }
0xa3: {  	[sflag:s23] =	ssyncset.done $0x0  }
0xa4: {  	s25 =	simm.s32 $0x1B8E;
	s24 =	sld [smem:$0x3FFE];
	[sflag:s23] =	ssyncadd.s32 $0xFFFFFFFF  }
0xa5: {  	s26 =	simm.s32 $execute0_lowered;
	[smem:$0x3FD2] =	sst s25  }
0xa6: {  	s5 =	sshll.u32 s26, $0x1;
	_ =	strace $0x80000049;
	[dreg:$0x1] =	wrdreg $0xFFFFFFFF  }
0xa7: {  	s28 =	simm.s32 $_size_execute0_lowered;
	s3 =	sadd.s32 s3, s5;
	[dreg:$0x0] =	wrdreg $0x0  }
0xa8: {  	s5 =	sshll.u32 s28, $0x1;
	[dreg:$0x2] =	wrdreg s3  }
0xa9: {  	[dreg:$0x3] =	wrdreg s5  }
0xaa: {  	[dreg:$0x4] =	wrdreg $0xC0  }
0xab: {  	_ =	task [dreg:s7], $0x5FFFF  }
0xac: {  	[dreg:$0x1] =	wrdreg $0xFFFFFFFF  }
0xad: {  	[dreg:$0x0] =	wrdreg $0x60  }
0xae: {  	[dreg:$0x2] =	wrdreg s24  }
0xaf: {  	[dreg:$0x3] =	wrdreg s2  }
0xb0: {  	[dreg:$0x4] =	wrdreg $0xA8000  }
0xb1: {  	[dreg:$0x5] =	wrdreg $0x9  }
0xb2: {  	_ =	task.clear_ibuf [dreg:s7], $0x6FFFF;
	_ =	strace $0x90000049  }
0xb3: {  	s29 =	simm.s32 $0x9;
	_ =	strace $0x8000004B  }
0xb4: {  	_ =	swait.ge [sflag:s29], $0x1  }
0xb5: {  	[sflag:s29] =	ssyncadd.s32 $0xFFFFFFFF  }
0xb6: {  	_ =	strace $0x9000004B  }
0xb7: {  	_ =	sfence  }
0xb8: {  	s30 =	sld [smem:$0x0];
	_ =	sdelay $0x2  }
0xb9: {  	s31 =	sshll.u32 s1, $0xD;
	s1 =	sshrl.u32 s1, $0x2  }
0xba: {  	s3 =	sand.u32 $0x4000, s31;
	s1 =	sadd.s32 s1, s30  }
0xbb: {  	s0 =	sor.u32 s3, s0;
	s1 =	sshll.u32 s1, $0x11  }
0xbc: {  	s0 =	sor.u32 s1, s0  }
0xbd: {  	s0 =	sadd.s32 $0x8F2B, s0  }
0xbe: {  	[sflag:s0] =	ssyncadd.remote.s32 $0x1  }
0xbf: {  	_ =	sfence.sel $0xFFFF  }
0xc0: {  	[dreg:$0x0] =	wrdreg $0xFFFFFFFF;
	(pc) =	sbr.abs _section_cstart, $3  }
0xc1: {  	[dreg:$0x1] =	wrdreg $0xFFFFFFFF  }
0xc2: {  	_ =	task.clear_ibuf [dreg:s7], $0x2FFFF;
	_ =	strace $0x9FFFFFFF  }
0xc3: {  	(tm) =	ssettm $0x7FFFFFFF  }
tec
execute0_lowered:
.L_overlay_start_1:
0x0: {  	(tag) =	ssettag $0x1  }
0x1: {  	s0 =	rddreg [dreg:$0x0]  }
0x2: {  	s2 =	rddreg [dreg:$0x1]  }
0x3: {  	s1 =	rddreg [dreg:$0x2];
	s3 =	srdreg.scid  }
0x4: {  	s12 =	stileid.u32;
	s28 =	simm.s32 $0x100;
	s29 =	simm.s32 $0x2  }
0x5: {  	s30 =	simm.s32 $0x1480;
	s31 =	simm.s32 $0x4;
	s6 =	smul.u32 $0x2800, s12  }
0x6: {  	s5 =	sand.u32 $0x1, s3;
	s3 =	simm.s32 $0x0;
	s10 =	smul.u32 $0x50000, s12  }
0x7: {  	s19 =	sshll.u32 s12, $0x6;
	s4 =	sshll.u32 s5, $0x4;
	[smem:$0x7FF] =	sst s3  }
0x8: {  	s9 =	ssub.s32 $0x2, s5;
	s5 =	sadd.s32 $0x56400, s0;
	s7 =	sor.u32 s12, s4  }
0x9: {  	_ =	strace $0x8000004A;
	s4 =	sadd.s32 $0x6400, s0;
	s6 =	sshrl.u32 s6, $0x3  }
0xa: {  	s11 =	sshrl.u32 s9, $0x1;
	s18 =	sshrl.u32 s10, $0x2;
	s12 =	smul.u32 $0x4E200, s12  }
0xb: {  	[dreg:$0x4] =	wrdreg s19;
	s8 =	smul.u32 $0x2780, s7;
	s6 =	sadd.s32 s6, s0  }
0xc: {  	s9 =	ssub.s32 s9, s11;
	s10 =	sadd.s32 s18, s1;
	s20 =	smul.u32 $0x2800, s7  }
0xd: {  	s7 =	sor.u32 $0x1C03, s19;
	s19 =	simm.s32 $0x5;
	s21 =	sadd.s32 $0x4000, s10  }
0xe: {  	s16 =	sadd.s32 $0x8000, s10;
	s17 =	sadd.s32 $0xC000, s10;
	s18 =	sadd.s32 $0x10000, s10  }
0xf: {  	s22 =	sadd.s32 $0x1400, s6;
	s24 =	sadd.s32 $0x1680, s6;
	s25 =	sshrl.u32 s12, $0x2  }
0x10: {  	s13 =	smax.u32 s9, $0x1;
	s14 =	sshrl.u32 s10, $0x3;
	s6 =	simm.s32 $0x2780  }
0x11: {  	s9 =	simm.s32 $0x0;
	s0 =	sadd.s32 s8, s0;
	[dreg:$0x5] =	wrdreg s22  }
0x12: {  	s8 =	sshrl.u32 s20, $0x3;
	[dreg:$0x7] =	wrdreg s24;
	s26 =	sadd.s32 s25, s1  }
0x13: {  	s15 =	sshrl.u32 s21, $0x3;
	s16 =	sshrl.u32 s16, $0x3;
	s17 =	sshrl.u32 s17, $0x3  }
0x14: {  	s18 =	sshrl.u32 s18, $0x3;
	s20 =	simm.s32 $0x1400;
	s21 =	simm.s32 $0x80  }
0x15: {  	s22 =	simm.s32 $0x2800;
	s24 =	simm.s32 $0x6800;
	s8 =	sadd.s32 s2, s8  }
0x16: {  	s0 =	sadd.s32 $0x56C00, s0;
	s25 =	sshrl.u32 s26, $0x3;
	s26 =	simm.s32 $0x1  }
0x17: {  	s2 =	simm.s32 $0x2700;
	s23 =	sadd.s32 $0x280, s8;
	[dreg:$0x8] =	wrdreg s0  }
0x18: {  	s0 =	simm.s32 $0x1380;
	[dreg:$0x6] =	wrdreg s23;
	s23 =	simm.s32 $0x3  }
.LBB2_1:
0x19: {  	[spmem:s14], [sflag:s7] =	dma.local [hbm:s5], $0x800  }
0x1a: {  	[spmem:s15], [sflag:s7] =	dma.local [hbm:s5], $0x800  }
0x1b: {  	[spmem:s16], [sflag:s7] =	dma.local [hbm:s5], $0x800  }
0x1c: {  	[spmem:s17], [sflag:s7] =	dma.local [hbm:s5], $0x800  }
0x1d: {  	[spmem:s18], [sflag:s7] =	dma.local [hbm:s5], $0x800  }
0x1e: {  	[tilespmem:s3], [sflag:$0x5] =	stream.linear.gather [hbm4b:s8+s3], $0x1400, $0x38;
	[tilespmem:$0x1E800] =	vst v63  }
0x1f: {  	_ =	swait.ge [sflag:s19], $0x1400  }
0x20: {  	[sflag:s19] =	ssyncset.done $0x0  }
0x21: {  	s10 =	rddreg [dreg:$0x5];
	[sflag:s19] =	ssyncadd.s32 $0xFFFFEC00  }
0x22: {  	[tilespmem:s20], [sflag:$0x5] =	stream.linear.gather [hbm4b:s10+s3], $0x1400, $0x38;
	[tilespmem:$0x1E800] =	vst v63  }
0x23: {  	_ =	swait.ge [sflag:s19], $0x1400  }
0x24: {  	[sflag:s19] =	ssyncset.done $0x0  }
0x25: {  	[sflag:s19] =	ssyncadd.s32 $0xFFFFEC00  }
0x26: {  	[tilespmem:s22], [sflag:$0x1] =	stream.indirect.gather [hbm4b:s4+s21], $0x80, s3, s21, $0xb8;
	[tilespmem:$0x1E800] =	vst v63  }
0x27: {  	_ =	swait.ge [sflag:s23], $0x800  }
0x28: {  	[sflag:s23] =	ssyncset.done $0x0  }
0x29: {  	[sflag:s23] =	ssyncadd.s32 $0xFFFFF800  }
0x2a: {  	_ =	swait.ge [sflag:s23], $0x800  }
0x2b: {  	[sflag:s23] =	ssyncset.done $0x0  }
0x2c: {  	[sflag:s23] =	ssyncadd.s32 $0xFFFFF800  }
0x2d: {  	_ =	swait.ge [sflag:s23], $0x800  }
0x2e: {  	[sflag:s23] =	ssyncset.done $0x0  }
0x2f: {  	[sflag:s23] =	ssyncadd.s32 $0xFFFFF800  }
0x30: {  	_ =	swait.ge [sflag:s23], $0x800  }
0x31: {  	[sflag:s23] =	ssyncset.done $0x0  }
0x32: {  	[sflag:s23] =	ssyncadd.s32 $0xFFFFF800  }
0x33: {  	_ =	swait.ge [sflag:s23], $0x800  }
0x34: {  	[sflag:s23] =	ssyncset.done $0x0  }
0x35: {  	[sflag:s23] =	ssyncadd.s32 $0xFFFFF800  }
0x36: {  	[bflag:$0x0] =	sbarrier.arrive $0xFFFF  }
0x37: {  	[tilespmem:s24], [sflag:$0x2] =	stream.indirect.gather [hbm4b:s4+s21], $0x80, s21, s21, $0xb8;
	[tilespmem:$0x1E800] =	vst v63  }
0x38: {  	_ =	swait.ge [sflag:s26], $0x4000  }
0x39: {  	[sflag:s26] =	ssyncset.done $0x0  }
0x3a: {  	[sflag:s26] =	ssyncadd.s32 $0xFFFFC000  }
0x3b: {  	[spmem:s1] =	stream.indirect.scatter.add.f32 [tilespmem:s22], [sflag:$0x3], $0x80, s20, s21, $0xb8;
	[tilespmem:$0x1E800] =	vst v63  }
0x3c: {  	_ =	swait.ge [sflag:s23], $0x4000  }
0x3d: {  	[sflag:s23] =	ssyncset.done $0x0  }
0x3e: {  	[sflag:s23] =	ssyncadd.s32 $0xFFFFC000  }
0x3f: {  	[tilespmem:s22], [sflag:$0x1] =	stream.indirect.gather [hbm4b:s4+s21], $0x80, s28, s21, $0xb8;
	[tilespmem:$0x1E800] =	vst v63  }
0x40: {  	_ =	swait.ge [sflag:s29], $0x4000  }
0x41: {  	[sflag:s29] =	ssyncset.done $0x0  }
0x42: {  	[sflag:s29] =	ssyncadd.s32 $0xFFFFC000  }
0x43: {  	[spmem:s1] =	stream.indirect.scatter.add.f32 [tilespmem:s24], [sflag:$0x4], $0x80, s30, s21, $0xb8;
	[tilespmem:$0x1E800] =	vst v63  }
0x44: {  	_ =	swait.ge [sflag:s31], $0x4000  }
0x45: {  	[sflag:s31] =	ssyncset.done $0x0  }
0x46: {  	s12 =	simm.s32 $0x180;
	[sflag:s31] =	ssyncadd.s32 $0xFFFFC000  }
0x47: {  	[tilespmem:s24], [sflag:$0x2] =	stream.indirect.gather [hbm4b:s4+s21], $0x80, s12, s21, $0xb8;
	[tilespmem:$0x1E800] =	vst v63  }
0x48: {  	_ =	swait.ge [sflag:s26], $0x4000  }
0x49: {  	[sflag:s26] =	ssyncset.done $0x0  }
0x4a: {  	s11 =	simm.s32 $0x1500;
	[sflag:s26] =	ssyncadd.s32 $0xFFFFC000  }
0x4b: {  	[spmem:s1] =	stream.indirect.scatter.add.f32 [tilespmem:s22], [sflag:$0x3], $0x80, s11, s21, $0xb8;
	[tilespmem:$0x1E800] =	vst v63  }
0x4c: {  	_ =	swait.ge [sflag:s23], $0x4000  }
0x4d: {  	[sflag:s23] =	ssyncset.done $0x0  }
0x4e: {  	s12 =	simm.s32 $0x200;
	[sflag:s23] =	ssyncadd.s32 $0xFFFFC000  }
0x4f: {  	[tilespmem:s22], [sflag:$0x1] =	stream.indirect.gather [hbm4b:s4+s21], $0x80, s12, s21, $0xb8;
	[tilespmem:$0x1E800] =	vst v63  }
0x50: {  	_ =	swait.ge [sflag:s29], $0x4000  }
0x51: {  	[sflag:s29] =	ssyncset.done $0x0  }
0x52: {  	s10 =	simm.s32 $0xFFFFBC00;
	s11 =	simm.s32 $0x1580;
	[sflag:s29] =	ssyncadd.s32 $0xFFFFC000  }
.LBB2_2:
0x53: {  	[spmem:s1] =	stream.indirect.scatter.add.f32 [tilespmem:s24], [sflag:$0x4], $0x80, s11, s21, $0xb8;
	[tilespmem:$0x1E800] =	vst v63  }
0x54: {  	s11 =	smov.u32 s10  }
0x55: {  	p0 =	sne.s32 s10, $0xFFFFFC00;
	s10 =	sadd.s32 $0x400, s10;
	_ =	swait.ge [sflag:s31], $0x4000  }
0x56: {  	s11 =	sshra.s32 s11, $0x2;
	[sflag:s31] =	ssyncset.done $0x0  }
0x57: {  	s12 =	sadd.s32 $0x1380, s11;
	[sflag:s31] =	ssyncadd.s32 $0xFFFFC000  }
0x58: {  	[tilespmem:s24], [sflag:$0x2] =	stream.indirect.gather [hbm4b:s4+s21], $0x80, s12, s21, $0xb8;
	[tilespmem:$0x1E800] =	vst v63  }
0x59: {  	_ =	swait.ge [sflag:s26], $0x4000  }
0x5a: {  	[sflag:s26] =	ssyncset.done $0x0  }
0x5b: {  	s12 =	sadd.s32 $0x2700, s11;
	[sflag:s26] =	ssyncadd.s32 $0xFFFFC000  }
0x5c: {  	[spmem:s1] =	stream.indirect.scatter.add.f32 [tilespmem:s22], [sflag:$0x3], $0x80, s12, s21, $0xb8;
	[tilespmem:$0x1E800] =	vst v63  }
0x5d: {  	_ =	swait.ge [sflag:s23], $0x4000  }
0x5e: {  	[sflag:s23] =	ssyncset.done $0x0  }
.Ltmp0:
0x5f: {  	s12 =	sadd.s32 $0x1400, s11;
	[sflag:s23] =	ssyncadd.s32 $0xFFFFC000;
	(pc) =	sbr.rel @p0 .LBB2_2-.Ltmp0, $4  }
0x60: {  	[tilespmem:s22], [sflag:$0x1] =	stream.indirect.gather [hbm4b:s4+s21], $0x80, s12, s21, $0xb8;
	[tilespmem:$0x1E800] =	vst v63  }
0x61: {  	_ =	swait.ge [sflag:s29], $0x4000  }
0x62: {  	[sflag:s29] =	ssyncset.done $0x0  }
0x63: {  	s11 =	sadd.s32 $0x2780, s11;
	[sflag:s29] =	ssyncadd.s32 $0xFFFFC000  }
0x64: {  	[spmem:s1] =	stream.indirect.scatter.add.f32 [tilespmem:s24], [sflag:$0x4], $0x80, s11, s21, $0xb8;
	[tilespmem:$0x1E800] =	vst v63  }
0x65: {  	_ =	swait.ge [sflag:s31], $0x4000  }
0x66: {  	[sflag:s31] =	ssyncset.done $0x0  }
0x67: {  	[sflag:s31] =	ssyncadd.s32 $0xFFFFC000  }
0x68: {  	[tilespmem:s24], [sflag:$0x2] =	stream.indirect.gather [hbm4b:s4+s21], $0x80, s0, s21, $0xb8;
	[tilespmem:$0x1E800] =	vst v63  }
0x69: {  	_ =	swait.ge [sflag:s26], $0x4000  }
0x6a: {  	[sflag:s26] =	ssyncset.done $0x0  }
0x6b: {  	[sflag:s26] =	ssyncadd.s32 $0xFFFFC000  }
0x6c: {  	[spmem:s1] =	stream.indirect.scatter.add.f32 [tilespmem:s22], [sflag:$0x3], $0x80, s2, s21, $0xb8;
	[tilespmem:$0x1E800] =	vst v63  }
0x6d: {  	_ =	swait.ge [sflag:s29], $0x4000  }
0x6e: {  	[sflag:s29] =	ssyncset.done $0x0  }
0x6f: {  	[sflag:s29] =	ssyncadd.s32 $0xFFFFC000  }
0x70: {  	[spmem:s1] =	stream.indirect.scatter.add.f32 [tilespmem:s24], [sflag:$0x4], $0x80, s6, s21, $0xb8;
	[tilespmem:$0x1E800] =	vst v63  }
0x71: {  	_ =	swait.ge [sflag:s23], $0x4000  }
0x72: {  	[sflag:s23] =	ssyncset.done $0x0  }
0x73: {  	[sflag:s23] =	ssyncadd.s32 $0xFFFFC000  }
0x74: {  	_ =	swait.ge [sflag:s31], $0x4000  }
0x75: {  	[sflag:s31] =	ssyncset.done $0x0  }
0x76: {  	s10 =	rddreg [dreg:$0x6];
	[sflag:s31] =	ssyncadd.s32 $0xFFFFC000  }
0x77: {  	[tilespmem:s3], [sflag:$0x5] =	stream.linear.gather [hbm4b:s10+s3], $0x1400, $0x38;
	[tilespmem:$0x1E800] =	vst v63  }
0x78: {  	_ =	swait.ge [sflag:s19], $0x1400  }
0x79: {  	[sflag:s19] =	ssyncset.done $0x0  }
0x7a: {  	s11 =	rddreg [dreg:$0x7];
	[sflag:s19] =	ssyncadd.s32 $0xFFFFEC00  }
0x7b: {  	[tilespmem:s20], [sflag:$0x5] =	stream.linear.gather [hbm4b:s11+s3], $0x1400, $0x38;
	[tilespmem:$0x1E800] =	vst v63  }
0x7c: {  	_ =	swait.ge [sflag:s19], $0x1400  }
0x7d: {  	[sflag:s19] =	ssyncset.done $0x0  }
0x7e: {  	[sflag:s19] =	ssyncadd.s32 $0xFFFFEC00  }
0x7f: {  	[tilespmem:s22], [sflag:$0x1] =	stream.indirect.gather [hbm4b:s4+s21], $0x80, s3, s21, $0xb8;
	[tilespmem:$0x1E800] =	vst v63  }
0x80: {  	_ = 	snop  }
0x81: {  	[tilespmem:s24], [sflag:$0x2] =	stream.indirect.gather [hbm4b:s4+s21], $0x80, s21, s21, $0xb8;
	[tilespmem:$0x1E800] =	vst v63  }
0x82: {  	_ =	swait.ge [sflag:s26], $0x4000  }
0x83: {  	[sflag:s26] =	ssyncset.done $0x0  }
0x84: {  	[sflag:s26] =	ssyncadd.s32 $0xFFFFC000  }
0x85: {  	[spmem:s1] =	stream.indirect.scatter.add.f32 [tilespmem:s22], [sflag:$0x3], $0x80, s20, s21, $0xb8;
	[tilespmem:$0x1E800] =	vst v63  }
0x86: {  	_ =	swait.ge [sflag:s23], $0x4000  }
0x87: {  	[sflag:s23] =	ssyncset.done $0x0  }
0x88: {  	[sflag:s23] =	ssyncadd.s32 $0xFFFFC000  }
0x89: {  	[tilespmem:s22], [sflag:$0x1] =	stream.indirect.gather [hbm4b:s4+s21], $0x80, s28, s21, $0xb8;
	[tilespmem:$0x1E800] =	vst v63  }
0x8a: {  	_ =	swait.ge [sflag:s29], $0x4000  }
0x8b: {  	[sflag:s29] =	ssyncset.done $0x0  }
0x8c: {  	[sflag:s29] =	ssyncadd.s32 $0xFFFFC000  }
0x8d: {  	[spmem:s1] =	stream.indirect.scatter.add.f32 [tilespmem:s24], [sflag:$0x4], $0x80, s30, s21, $0xb8;
	[tilespmem:$0x1E800] =	vst v63  }
0x8e: {  	_ =	swait.ge [sflag:s31], $0x4000  }
0x8f: {  	[sflag:s31] =	ssyncset.done $0x0  }
0x90: {  	s12 =	simm.s32 $0x180;
	[sflag:s31] =	ssyncadd.s32 $0xFFFFC000  }
0x91: {  	[tilespmem:s24], [sflag:$0x2] =	stream.indirect.gather [hbm4b:s4+s21], $0x80, s12, s21, $0xb8;
	[tilespmem:$0x1E800] =	vst v63  }
0x92: {  	_ =	swait.ge [sflag:s26], $0x4000  }
0x93: {  	[sflag:s26] =	ssyncset.done $0x0  }
0x94: {  	s11 =	simm.s32 $0x1500;
	[sflag:s26] =	ssyncadd.s32 $0xFFFFC000  }
0x95: {  	[spmem:s1] =	stream.indirect.scatter.add.f32 [tilespmem:s22], [sflag:$0x3], $0x80, s11, s21, $0xb8;
	[tilespmem:$0x1E800] =	vst v63  }
0x96: {  	_ =	swait.ge [sflag:s23], $0x4000  }
0x97: {  	[sflag:s23] =	ssyncset.done $0x0  }
0x98: {  	s12 =	simm.s32 $0x200;
	[sflag:s23] =	ssyncadd.s32 $0xFFFFC000  }
0x99: {  	[tilespmem:s22], [sflag:$0x1] =	stream.indirect.gather [hbm4b:s4+s21], $0x80, s12, s21, $0xb8;
	[tilespmem:$0x1E800] =	vst v63  }
0x9a: {  	_ =	swait.ge [sflag:s29], $0x4000  }
0x9b: {  	[sflag:s29] =	ssyncset.done $0x0  }
0x9c: {  	s10 =	simm.s32 $0xFFFFBC00;
	s11 =	simm.s32 $0x1580;
	[sflag:s29] =	ssyncadd.s32 $0xFFFFC000  }
.LBB2_4:
0x9d: {  	[spmem:s1] =	stream.indirect.scatter.add.f32 [tilespmem:s24], [sflag:$0x4], $0x80, s11, s21, $0xb8;
	[tilespmem:$0x1E800] =	vst v63  }
0x9e: {  	s11 =	smov.u32 s10  }
0x9f: {  	p0 =	sne.s32 s10, $0xFFFFFC00;
	s10 =	sadd.s32 $0x400, s10;
	_ =	swait.ge [sflag:s31], $0x4000  }
0xa0: {  	s11 =	sshra.s32 s11, $0x2;
	[sflag:s31] =	ssyncset.done $0x0  }
0xa1: {  	s12 =	sadd.s32 $0x1380, s11;
	[sflag:s31] =	ssyncadd.s32 $0xFFFFC000  }
0xa2: {  	[tilespmem:s24], [sflag:$0x2] =	stream.indirect.gather [hbm4b:s4+s21], $0x80, s12, s21, $0xb8;
	[tilespmem:$0x1E800] =	vst v63  }
0xa3: {  	_ =	swait.ge [sflag:s26], $0x4000  }
0xa4: {  	[sflag:s26] =	ssyncset.done $0x0  }
0xa5: {  	s12 =	sadd.s32 $0x2700, s11;
	[sflag:s26] =	ssyncadd.s32 $0xFFFFC000  }
0xa6: {  	[spmem:s1] =	stream.indirect.scatter.add.f32 [tilespmem:s22], [sflag:$0x3], $0x80, s12, s21, $0xb8;
	[tilespmem:$0x1E800] =	vst v63  }
0xa7: {  	_ =	swait.ge [sflag:s23], $0x4000  }
0xa8: {  	[sflag:s23] =	ssyncset.done $0x0  }
.Ltmp1:
0xa9: {  	s12 =	sadd.s32 $0x1400, s11;
	[sflag:s23] =	ssyncadd.s32 $0xFFFFC000;
	(pc) =	sbr.rel @p0 .LBB2_4-.Ltmp1, $4  }
0xaa: {  	[tilespmem:s22], [sflag:$0x1] =	stream.indirect.gather [hbm4b:s4+s21], $0x80, s12, s21, $0xb8;
	[tilespmem:$0x1E800] =	vst v63  }
0xab: {  	_ =	swait.ge [sflag:s29], $0x4000  }
0xac: {  	[sflag:s29] =	ssyncset.done $0x0  }
0xad: {  	s11 =	sadd.s32 $0x2780, s11;
	[sflag:s29] =	ssyncadd.s32 $0xFFFFC000  }
0xae: {  	[spmem:s1] =	stream.indirect.scatter.add.f32 [tilespmem:s24], [sflag:$0x4], $0x80, s11, s21, $0xb8;
	[tilespmem:$0x1E800] =	vst v63  }
0xaf: {  	_ =	swait.ge [sflag:s31], $0x4000  }
0xb0: {  	[sflag:s31] =	ssyncset.done $0x0  }
0xb1: {  	[sflag:s31] =	ssyncadd.s32 $0xFFFFC000  }
0xb2: {  	[tilespmem:s24], [sflag:$0x2] =	stream.indirect.gather [hbm4b:s4+s21], $0x80, s0, s21, $0xb8;
	[tilespmem:$0x1E800] =	vst v63  }
0xb3: {  	_ =	swait.ge [sflag:s26], $0x4000  }
0xb4: {  	[sflag:s26] =	ssyncset.done $0x0  }
0xb5: {  	[sflag:s26] =	ssyncadd.s32 $0xFFFFC000  }
0xb6: {  	[spmem:s1] =	stream.indirect.scatter.add.f32 [tilespmem:s22], [sflag:$0x3], $0x80, s2, s21, $0xb8;
	[tilespmem:$0x1E800] =	vst v63  }
0xb7: {  	_ =	swait.ge [sflag:s29], $0x4000  }
0xb8: {  	[sflag:s29] =	ssyncset.done $0x0  }
0xb9: {  	[sflag:s29] =	ssyncadd.s32 $0xFFFFC000  }
0xba: {  	[spmem:s1] =	stream.indirect.scatter.add.f32 [tilespmem:s24], [sflag:$0x4], $0x80, s6, s21, $0xb8;
	[tilespmem:$0x1E800] =	vst v63  }
0xbb: {  	_ =	swait.ge [sflag:s23], $0x4000  }
0xbc: {  	[sflag:s23] =	ssyncset.done $0x0  }
0xbd: {  	[sflag:s23] =	ssyncadd.s32 $0xFFFFC000  }
0xbe: {  	_ =	swait.ge [sflag:s31], $0x4000  }
0xbf: {  	[sflag:s31] =	ssyncset.done $0x0  }
0xc0: {  	[sflag:s31] =	ssyncadd.s32 $0xFFFFC000  }
0xc1: {  	s9 =	sadd.s32 $0x1, s9;
	[bflag:$0x0] =	sbarrier.arrive $0xFFFF  }
0xc2: {  	p0 =	sne.s32 s9, s13;
	s10 =	rddreg [dreg:$0x4]  }
.Ltmp2:
0xc3: {  	s12 =	rddreg [dreg:$0x8];
	s10 =	sor.u32 $0x1C05, s10;
	(pc) =	sbr.rel @p0 .LBB2_1-.Ltmp2, $4  }
0xc4: {  	[hbm:s12], [sflag:s10] =	dma.local [spmem:s25], $0x2710  }
0xc5: {  	_ =	swait.ge [sflag:s19], $0x2710  }
0xc6: {  	[sflag:s19] =	ssyncset.done $0x0  }
0xc7: {  	[sflag:s19] =	ssyncadd.s32 $0xFFFFD8F0  }
0xc8: {  	_ =	sfence.sel $0x180000  }
0xc9: {  	[bflag:$0x0] =	sbarrier.arrive $0xFFFF  }
0xca: {  	_ =	strace $0x9000004A  }
0xcb: {  	s0 =	stileid.u32;
	[bflag:$0x2] =	sbarrier.arrive $0xFFFF  }
0xcc: {  	p0 =	sne.s32 s0, $0x0;
	s0 =	rddreg [dreg:$0x3]  }
0xcd: {  	s0 =	sadd.s32 @!p0 $0x100000, s0  }
0xce: {  	[sflag:s0] =	ssyncadd.tile.s32 @!p0 $0x1;
	_ =	shalt  }
.Lfunc_end2:
_tile_overlayer_lowered:
.L_overlay_start_2:
0xcf: {  	(tag) =	ssettag $0x2  }
0xd0: {  	s0 =	rddreg [dreg:$0x0];
	s2 =	stileid.u32  }
0xd1: {  	s1 =	rddreg [dreg:$0x1];
	p0 =	sne.s32 s2, $0x0  }
0xd2: {  	s3 =	rddreg [dreg:$0x2];
	[bflag:$0x3] =	sbarrier.arrive $0xFFFF;
	s2 =	simm.s32 @!p0 $0x1C05  }
0xd3: {  	[timem:s3], [sflag:s2] =	dma.local @!p0 [hbm:s0], s1  }
0xd4: {  	s0 =	simm.s32 @!p0 $0x5  }
0xd5: {  	_ =	swait.ge @!p0 [sflag:s0], s1  }
0xd6: {  	s1 =	ssub.s32 @!p0 $0x0, s1;
	[sflag:s0] =	ssyncset.done @!p0 $0x0  }
0xd7: {  	[sflag:s0] =	ssyncadd.s32 @!p0 s1  }
0xd8: {  	[bflag:$0x3] =	sbarrier.arrive $0xFFFF  }
0xd9: {  	_ =	shalt  }

</sc_bundles>
